<compile_context>
chip_gen: v7x
topology: tpu7x:2x2x1
jax: 0.10.2.dev20260603
libtpu: 0.0.44.dev20260713+nightly
codegen_flags: <defaults>
</compile_context>

<pallas_src>
import functools

import jax
import jax.numpy as jnp
from jax import lax
from jax.experimental import pallas as pl
from jax.experimental.pallas import tpu as pltpu
from jax.experimental.pallas import tpu_sc as plsc

NC = 2
NS = 16
NW = NC * NS
CH = 128

_f32 = jnp.float32

_SC_PARAMS = pltpu.CompilerParams(
    needs_layout_passes=False, use_tc_tiling_on_sc=False)


def _degrees(srcT, dstT, n_pad):
    ns_, nct, ch = srcT.shape
    nh = nct // NC
    mesh = plsc.VectorSubcoreMesh(core_axis_name="c", subcore_axis_name="s")

    @functools.partial(
        pl.kernel,
        out_type=(
            jax.ShapeDtypeStruct((NW, n_pad), _f32),
            jax.ShapeDtypeStruct((NW, n_pad), _f32),
        ),
        mesh=mesh,
        compiler_params=_SC_PARAMS,
        scratch_types=[
            pltpu.VMEM((nh, ch), jnp.int32),
            pltpu.VMEM((nh, ch), jnp.int32),
            pltpu.VMEM((n_pad,), _f32),
            pltpu.VMEM((n_pad,), _f32),
        ],
    )
    def deg_kernel(src_hbm, dst_hbm, out_s, out_d, src_v, dst_v, acc_s, acc_d):
        c = lax.axis_index("c")
        s = lax.axis_index("s")
        wid = c * NS + s
        pltpu.sync_copy(src_hbm.at[s, pl.ds(c * nh, nh)], src_v)
        pltpu.sync_copy(dst_hbm.at[s, pl.ds(c * nh, nh)], dst_v)
        zeros16 = jnp.zeros((16,), _f32)

        def zbody(i, carry):
            acc_s[pl.ds(i * 16, 16)] = zeros16
            acc_d[pl.ds(i * 16, 16)] = zeros16
            return carry

        lax.fori_loop(0, n_pad // 16, zbody, 0)
        ones16 = jnp.ones((16,), _f32)

        def cbody(i, carry):
            for j in range(ch // 16):
                si = src_v[i, pl.ds(j * 16, 16)]
                plsc.addupdate_scatter(acc_s, [si], ones16)
                di = dst_v[i, pl.ds(j * 16, 16)]
                plsc.addupdate_scatter(acc_d, [di], ones16)
            return carry

        lax.fori_loop(0, nh, cbody, 0)
        pltpu.sync_copy(acc_s, out_s.at[wid])
        pltpu.sync_copy(acc_d, out_d.at[wid])

    return deg_kernel(srcT, dstT)


def _aggregate(ta, tb, srcT, dstT, n_pad):
    npad_, dh = ta.shape
    ns_, nct, ch = srcT.shape
    nhalf = nct // 2
    rps = n_pad // NS
    mesh = plsc.VectorSubcoreMesh(core_axis_name="c", subcore_axis_name="s")

    @functools.partial(
        pl.kernel,
        out_type=jax.ShapeDtypeStruct((NC, n_pad, dh), _f32),
        mesh=mesh,
        compiler_params=_SC_PARAMS,
        scratch_types=[
            pltpu.VMEM((nhalf, ch), jnp.int32),
            pltpu.VMEM((nhalf, ch), jnp.int32),
            pltpu.VMEM((ch, dh), _f32),
            pltpu.VMEM_SHARED((n_pad, dh), _f32),
            pltpu.VMEM_SHARED((n_pad, dh), _f32),
            pltpu.SemaphoreType.DMA,
        ],
    )
    def agg_kernel(ta_hbm, tb_hbm, src_hbm, dst_hbm, out_hbm,
                   src_v, dst_v, rows_v, sp_t, sp_a, sem):
        c = lax.axis_index("c")
        s = lax.axis_index("s")
        row0 = s * rps
        @pl.when(c == 0)
        def _():
            pltpu.sync_copy(ta_hbm.at[pl.ds(row0, rps)],
                            sp_t.at[pl.ds(row0, rps)])

        @pl.when(c == 1)
        def _():
            pltpu.sync_copy(tb_hbm.at[pl.ds(row0, rps)],
                            sp_t.at[pl.ds(row0, rps)])

        zeros16 = jnp.zeros((16,), _f32)
        zoffs = list(range(0, dh - 15, 16))
        if dh % 16:
            zoffs.append(dh - 16)

        def zbody(i, carry):
            for o in zoffs:
                rows_v[i, pl.ds(o, 16)] = zeros16
            return carry

        lax.fori_loop(0, ch, zbody, 0)
        nfull = rps // ch

        def zcopy(k, carry):
            pltpu.sync_copy(rows_v, sp_a.at[pl.ds(row0 + k * ch, ch)])
            return carry

        lax.fori_loop(0, nfull, zcopy, 0)
        rem = rps - nfull * ch
        if rem:
            pltpu.sync_copy(rows_v.at[pl.ds(0, rem)],
                            sp_a.at[pl.ds(row0 + nfull * ch, rem)])
        plsc.subcore_barrier()

        def run_half(h):
            pltpu.sync_copy(src_hbm.at[s, pl.ds(h * nhalf, nhalf)], src_v)
            pltpu.sync_copy(dst_hbm.at[s, pl.ds(h * nhalf, nhalf)], dst_v)

            def body(i, carry):
                pltpu.async_copy(sp_t.at[src_v.at[i]], rows_v, sem).wait()
                pltpu.sync_copy(rows_v, sp_a.at[dst_v.at[i]], add=True)
                return carry

            lax.fori_loop(0, nhalf, body, 0)

        run_half(0)
        run_half(1)
        plsc.subcore_barrier()
        pltpu.sync_copy(sp_a.at[pl.ds(row0, rps)],
                        out_hbm.at[c, pl.ds(row0, rps)])

    return agg_kernel(ta, tb, srcT, dstT)


def _aggregate_es(t, srcT, dstT, n_pad):
    npad_, dh = t.shape
    ns_, nct, ch = srcT.shape
    nh = nct // 2
    rps = n_pad // NS
    mesh = plsc.VectorSubcoreMesh(core_axis_name="c", subcore_axis_name="s")

    @functools.partial(
        pl.kernel,
        out_type=jax.ShapeDtypeStruct((NC, n_pad, dh), _f32),
        mesh=mesh,
        compiler_params=_SC_PARAMS,
        scratch_types=[
            pltpu.VMEM((nh, ch), jnp.int32),
            pltpu.VMEM((nh, ch), jnp.int32),
            pltpu.VMEM((ch, dh), _f32),
            pltpu.VMEM_SHARED((n_pad, dh), _f32),
            pltpu.VMEM_SHARED((n_pad, dh), _f32),
            pltpu.SemaphoreType.DMA,
        ],
    )
    def agg_kernel(t_hbm, src_hbm, dst_hbm, out_hbm,
                   src_v, dst_v, rows_v, sp_t, sp_a, sem):
        c = lax.axis_index("c")
        s = lax.axis_index("s")
        row0 = s * rps
        pltpu.sync_copy(t_hbm.at[pl.ds(row0, rps)], sp_t.at[pl.ds(row0, rps)])
        pltpu.sync_copy(src_hbm.at[s, pl.ds(c * nh, nh)], src_v)
        pltpu.sync_copy(dst_hbm.at[s, pl.ds(c * nh, nh)], dst_v)

        zeros16 = jnp.zeros((16,), _f32)
        zoffs = list(range(0, dh - 15, 16))
        if dh % 16:
            zoffs.append(dh - 16)

        def zbody(i, carry):
            for o in zoffs:
                rows_v[i, pl.ds(o, 16)] = zeros16
            return carry

        lax.fori_loop(0, ch, zbody, 0)
        nfull = rps // ch

        def zcopy(k, carry):
            pltpu.sync_copy(rows_v, sp_a.at[pl.ds(row0 + k * ch, ch)])
            return carry

        lax.fori_loop(0, nfull, zcopy, 0)
        rem = rps - nfull * ch
        if rem:
            pltpu.sync_copy(rows_v.at[pl.ds(0, rem)],
                            sp_a.at[pl.ds(row0 + nfull * ch, rem)])
        plsc.subcore_barrier()

        def body(i, carry):
            pltpu.async_copy(sp_t.at[src_v.at[i]], rows_v, sem).wait()
            pltpu.sync_copy(rows_v, sp_a.at[dst_v.at[i]], add=True)
            return carry

        lax.fori_loop(0, nh, body, 0)
        plsc.subcore_barrier()
        pltpu.sync_copy(sp_a.at[pl.ds(row0, rps)],
                        out_hbm.at[c, pl.ds(row0, rps)])

    return agg_kernel(t, srcT, dstT)


def _norms_scale(deg_s, deg_d, ua, ub, n_pad):
    nw = deg_s.shape[0]
    dh = ua.shape[1]

    def body(ds_ref, dd_ref, ua_ref, ub_ref,
             ns_ref, nd_ref, ta_ref, tb_ref):
        ones = jnp.ones((nw, 1), _f32)
        dn = (((0,), (0,)), ((), ()))
        ssum = lax.dot_general(ds_ref[...], ones, dn,
                               preferred_element_type=_f32)
        dsum = lax.dot_general(dd_ref[...], ones, dn,
                               preferred_element_type=_f32)
        ns = lax.rsqrt(jnp.maximum(ssum, 1.0))
        ns_ref[...] = ns
        nd_ref[...] = lax.rsqrt(jnp.maximum(dsum, 1.0))
        ta_ref[...] = ua_ref[...] * ns
        tb_ref[...] = ub_ref[...] * ns

    return pl.pallas_call(
        body,
        out_shape=[
            jax.ShapeDtypeStruct((n_pad, 1), _f32),
            jax.ShapeDtypeStruct((n_pad, 1), _f32),
            jax.ShapeDtypeStruct((n_pad, dh), _f32),
            jax.ShapeDtypeStruct((n_pad, dh), _f32),
        ],
    )(deg_s, deg_d, ua, ub)


def _row_block(n):
    for b in (1264, 2000, 1000, 500, 250, 200, 100, 50, 25, 8):
        if n % b == 0:
            return b
    return n


def _matmul(x, wa, wb, n_pad):
    rb = _row_block(n_pad)
    d_in = x.shape[1]
    dh = wa.shape[1]

    def body(x_ref, wa_ref, wb_ref, oa_ref, ob_ref):
        xb = x_ref[...]
        oa_ref[...] = jnp.dot(xb, wa_ref[...], preferred_element_type=_f32)
        ob_ref[...] = jnp.dot(xb, wb_ref[...], preferred_element_type=_f32)

    return pl.pallas_call(
        body,
        grid=(n_pad // rb,),
        in_specs=[
            pl.BlockSpec((rb, d_in), lambda i: (i, 0)),
            pl.BlockSpec((d_in, dh), lambda i: (0, 0)),
            pl.BlockSpec((d_in, dh), lambda i: (0, 0)),
        ],
        out_specs=[
            pl.BlockSpec((rb, dh), lambda i: (i, 0)),
            pl.BlockSpec((rb, dh), lambda i: (i, 0)),
        ],
        out_shape=[
            jax.ShapeDtypeStruct((n_pad, dh), _f32),
            jax.ShapeDtypeStruct((n_pad, dh), _f32),
        ],
    )(x, wa, wb)


def _mid(p, nd, b1, ns, w2, n_pad):
    rb = _row_block(n_pad)
    nc, _, dh = p.shape
    do = w2.shape[1]

    def body(p_ref, nd_ref, b_ref, ns_ref, w_ref, o_ref):
        h = jnp.concatenate([p_ref[0], p_ref[1]], axis=1)
        h = jnp.maximum(h * nd_ref[...] + b_ref[...], 0.0)
        hs = h * ns_ref[...]
        o_ref[...] = jnp.dot(hs, w_ref[...], preferred_element_type=_f32)

    return pl.pallas_call(
        body,
        grid=(n_pad // rb,),
        in_specs=[
            pl.BlockSpec((nc, rb, dh), lambda i: (0, i, 0)),
            pl.BlockSpec((rb, 1), lambda i: (i, 0)),
            pl.BlockSpec((1, 2 * dh), lambda i: (0, 0)),
            pl.BlockSpec((rb, 1), lambda i: (i, 0)),
            pl.BlockSpec((2 * dh, do), lambda i: (0, 0)),
        ],
        out_specs=pl.BlockSpec((rb, do), lambda i: (i, 0)),
        out_shape=jax.ShapeDtypeStruct((n_pad, do), _f32),
    )(p, nd, b1, ns, w2)


def _final(p, nd, b2, n):
    rb = _row_block(n)
    nc, _, dh = p.shape

    def body(p_ref, nd_ref, b_ref, o_ref):
        o = p_ref[0] + p_ref[1]
        o_ref[...] = o * nd_ref[...] + b_ref[...]

    return pl.pallas_call(
        body,
        grid=(n // rb,),
        in_specs=[
            pl.BlockSpec((nc, rb, dh), lambda i: (0, i, 0)),
            pl.BlockSpec((rb, 1), lambda i: (i, 0)),
            pl.BlockSpec((1, dh), lambda i: (0, 0)),
        ],
        out_specs=pl.BlockSpec((rb, dh), lambda i: (i, 0)),
        out_shape=jax.ShapeDtypeStruct((n, dh), _f32),
    )(p, nd, b2)


def kernel(x, edge_index, W1, b1, W2, b2):
    n, d_in = x.shape
    hid = W1.shape[1]
    ncls = W2.shape[1]
    e = edge_index.shape[1]
    nct = -(-e // (NS * CH))
    nct = ((nct + 1) // 2) * 2
    e_pad = nct * NS * CH
    n_pad = ((n + 1 + 127) // 128) * 128

    src = edge_index[0]
    dst = edge_index[1]
    trash = jnp.full((e_pad - e,), n, jnp.int32)
    srcT = jnp.concatenate([src, trash]).reshape(NS, nct, CH)
    dstT = jnp.concatenate([dst, trash]).reshape(NS, nct, CH)

    x_pad = jnp.concatenate([x, jnp.zeros((n_pad - n, d_in), _f32)])
    h1 = hid // 2
    deg_s, deg_d = _degrees(srcT, dstT, n_pad)
    u1a, u1b = _matmul(x_pad, W1[:, :h1], W1[:, h1:], n_pad)
    ns, nd, t1a, t1b = _norms_scale(deg_s, deg_d, u1a, u1b, n_pad)
    p1 = _aggregate(t1a, t1b, srcT, dstT, n_pad)

    t2 = _mid(p1, nd, b1.reshape(1, hid), ns, W2, n_pad)
    p2 = _aggregate_es(t2, srcT, dstT, n_pad)

    return _final(p2, nd, b2.reshape(1, ncls), n)

# --- scband reference (transcript-rebuilt; emitter-appended) ---
"""Pipeline reference for scband-gcnbaseline-88587995448098 (READ-ONLY COPY).

The authoritative reference and input builder live on the scoring server;
editing this copy changes nothing except your own understanding.
"""

import jax, jax.numpy as jnp
import numpy as np

N = 10000
E = 320000
D_IN = 128
HID = 128
NCLS = 40


def setup_inputs(seed: int = 0) -> dict:
    key = jax.random.key(seed)
    k1, k2, k3, k4, k5, k6 = jax.random.split(key, 6)
    x = jax.random.normal(k1, (N, D_IN), dtype=jnp.float32)
    edge_index = jax.random.randint(k2, (2, E), 0, N, dtype=jnp.int32)
    W1 = jax.random.normal(k3, (D_IN, HID), dtype=jnp.float32) * (1.0 / np.sqrt(D_IN))
    b1 = jnp.zeros((HID,), dtype=jnp.float32)
    W2 = jax.random.normal(k4, (HID, NCLS), dtype=jnp.float32) * (1.0 / np.sqrt(HID))
    b2 = jnp.zeros((NCLS,), dtype=jnp.float32)
    return {"x": x, "edge_index": edge_index, "W1": W1, "b1": b1, "W2": W2, "b2": b2}


def _gcn_conv(x, src, dst, W, b):
    # DGL GraphConv with norm='both': D_dst^{-1/2} (A (D_src^{-1/2} x)) W + b
    deg_out = jnp.bincount(src, length=N).astype(x.dtype)
    deg_in = jnp.bincount(dst, length=N).astype(x.dtype)
    norm_src = jax.lax.rsqrt(jnp.maximum(deg_out, 1.0))
    norm_dst = jax.lax.rsqrt(jnp.maximum(deg_in, 1.0))
    h = x * norm_src[:, None]
    msg = jnp.take(h, src, axis=0)
    agg = jax.ops.segment_sum(msg, dst, num_segments=N)
    agg = agg * norm_dst[:, None]
    return agg @ W + b


def reference(x, edge_index, W1, b1, W2, b2):
    src = edge_index[0]
    dst = edge_index[1]
    h = _gcn_conv(x, src, dst, W1, b1)
    h = jax.nn.relu(h)
    # dropout: training=False -> identity
    out = _gcn_conv(h, src, dst, W2, b2)
    return out

if __name__ == "__main__":
    import jax
    _d = setup_inputs()
    print(jax.jit(kernel)(*tuple(_d.values())))

</pallas_src>

<mosaic_0001>
#map = affine_map<(d0, d1) -> (0, 0)>
#map1 = affine_map<(d0, d1) -> (0, 0, 0)>
module attributes {stable_mosaic.version = 14 : i64} {
  func.func @agg_kernel(%arg0: i32, %arg1: i32, %arg2: memref<10112x40xf32, #tpu.memory_space<hbm>>, %arg3: memref<16x158x128xi32, #tpu.memory_space<hbm>>, %arg4: memref<16x158x128xi32, #tpu.memory_space<hbm>>, %arg5: memref<2x10112x40xf32, #tpu.memory_space<hbm>>, %arg6: memref<79x128xi32, #tpu.memory_space<vmem>>, %arg7: memref<79x128xi32, #tpu.memory_space<vmem>>, %arg8: memref<128x40xf32, #tpu.memory_space<vmem>>, %arg9: memref<10112x40xf32, #tpu.memory_space<vmem_shared>>, %arg10: memref<10112x40xf32, #tpu.memory_space<vmem_shared>>, %arg11: memref<!tpu.dma_semaphore, #tpu.memory_space<semaphore_mem>>) attributes {dimension_semantics = [#tpu.dimension_semantics<core_parallel>, #tpu.dimension_semantics<subcore_parallel>], iteration_bounds = array<i64: 2, 16>, scalar_prefetch = 0 : i64, scratch_operands = 6 : i64, tpu.core_type = #tpu.core_type<sc_vector_subcore>, window_params = [{transform_indices = #map}, {transform_indices = #map1}, {transform_indices = #map1}, {transform_indices = #map1}]} {
    %mul3A = arith.constant 632 : i32
    %mul3A_0 = arith.muli %arg1, %mul3A : i32
    "tpu.region"() ({
      %run_scoped3A = tpu.sem_alloc : memref<!tpu.dma_semaphore, #tpu.memory_space<semaphore_mem>>
      %dma_start3A = arith.constant 0 : i32
      %dma_start3A_25 = tpu.memref_slice %arg9[%mul3A_0, %dma_start3A] : memref<10112x40xf32, #tpu.memory_space<vmem_shared>> -> memref<632x40xf32, #tpu.memory_space<vmem_shared>>
      %dma_start3A_26 = arith.constant 0 : i32
      %dma_start3A_27 = tpu.memref_slice %arg2[%mul3A_0, %dma_start3A_26] : memref<10112x40xf32, #tpu.memory_space<hbm>> -> memref<632x40xf32, #tpu.memory_space<hbm>>
      tpu.enqueue_dma source(%dma_start3A_27 : memref<632x40xf32, #tpu.memory_space<hbm>>) target(%dma_start3A_25 : memref<632x40xf32, #tpu.memory_space<vmem_shared>>) target_semaphore(%run_scoped3A : memref<!tpu.dma_semaphore, #tpu.memory_space<semaphore_mem>>)
      %dma_wait3A = arith.constant 0 : i32
      %dma_wait3A_28 = tpu.memref_slice %arg9[%mul3A_0, %dma_wait3A] : memref<10112x40xf32, #tpu.memory_space<vmem_shared>> -> memref<632x40xf32, #tpu.memory_space<vmem_shared>>
      %dma_wait3A_29 = arith.constant 0 : i32
      %dma_wait3A_30 = tpu.memref_slice %arg2[%mul3A_0, %dma_wait3A_29] : memref<10112x40xf32, #tpu.memory_space<hbm>> -> memref<632x40xf32, #tpu.memory_space<hbm>>
      tpu.wait_dma2 semaphore(%run_scoped3A : memref<!tpu.dma_semaphore, #tpu.memory_space<semaphore_mem>>) src(%dma_wait3A_30 : memref<632x40xf32, #tpu.memory_space<hbm>>) dst(%dma_wait3A_28 : memref<632x40xf32, #tpu.memory_space<vmem_shared>>)
      tpu.yield
    }) : () -> ()
    %mul3A_1 = arith.constant 79 : i32
    %mul3A_2 = arith.muli %arg0, %mul3A_1 : i32
    "tpu.region"() ({
      %run_scoped3A = tpu.sem_alloc : memref<!tpu.dma_semaphore, #tpu.memory_space<semaphore_mem>>
      %dma_start3A = arith.constant 0 : i32
      %dma_start3A_25 = tpu.memref_slice %arg3[%arg1, %mul3A_2, %dma_start3A] : memref<16x158x128xi32, #tpu.memory_space<hbm>> -> memref<1x79x128xi32, #tpu.memory_space<hbm>>
      %dma_start3A_26 = tpu.memref_squeeze %dma_start3A_25 : memref<1x79x128xi32, #tpu.memory_space<hbm>> -> memref<79x128xi32, #tpu.memory_space<hbm>>
      %dma_start3A_27 = arith.constant 0 : i32
      %dma_start3A_28 = tpu.memref_slice %arg3[%arg1, %mul3A_2, %dma_start3A_27] : memref<16x158x128xi32, #tpu.memory_space<hbm>> -> memref<1x79x128xi32, #tpu.memory_space<hbm>>
      %dma_start3A_29 = tpu.memref_squeeze %dma_start3A_28 : memref<1x79x128xi32, #tpu.memory_space<hbm>> -> memref<79x128xi32, #tpu.memory_space<hbm>>
      tpu.enqueue_dma source(%dma_start3A_29 : memref<79x128xi32, #tpu.memory_space<hbm>>) target(%arg6 : memref<79x128xi32, #tpu.memory_space<vmem>>) target_semaphore(%run_scoped3A : memref<!tpu.dma_semaphore, #tpu.memory_space<semaphore_mem>>)
      %dma_wait3A = arith.constant 0 : i32
      %dma_wait3A_30 = tpu.memref_slice %arg3[%arg1, %mul3A_2, %dma_wait3A] : memref<16x158x128xi32, #tpu.memory_space<hbm>> -> memref<1x79x128xi32, #tpu.memory_space<hbm>>
      %dma_wait3A_31 = tpu.memref_squeeze %dma_wait3A_30 : memref<1x79x128xi32, #tpu.memory_space<hbm>> -> memref<79x128xi32, #tpu.memory_space<hbm>>
      %dma_wait3A_32 = arith.constant 0 : i32
      %dma_wait3A_33 = tpu.memref_slice %arg3[%arg1, %mul3A_2, %dma_wait3A_32] : memref<16x158x128xi32, #tpu.memory_space<hbm>> -> memref<1x79x128xi32, #tpu.memory_space<hbm>>
      %dma_wait3A_34 = tpu.memref_squeeze %dma_wait3A_33 : memref<1x79x128xi32, #tpu.memory_space<hbm>> -> memref<79x128xi32, #tpu.memory_space<hbm>>
      tpu.wait_dma2 semaphore(%run_scoped3A : memref<!tpu.dma_semaphore, #tpu.memory_space<semaphore_mem>>) src(%dma_wait3A_34 : memref<79x128xi32, #tpu.memory_space<hbm>>) dst(%arg6 : memref<79x128xi32, #tpu.memory_space<vmem>>)
      tpu.yield
    }) : () -> ()
    %mul3A_3 = arith.constant 79 : i32
    %mul3A_4 = arith.muli %arg0, %mul3A_3 : i32
    "tpu.region"() ({
      %run_scoped3A = tpu.sem_alloc : memref<!tpu.dma_semaphore, #tpu.memory_space<semaphore_mem>>
      %dma_start3A = arith.constant 0 : i32
      %dma_start3A_25 = tpu.memref_slice %arg4[%arg1, %mul3A_4, %dma_start3A] : memref<16x158x128xi32, #tpu.memory_space<hbm>> -> memref<1x79x128xi32, #tpu.memory_space<hbm>>
      %dma_start3A_26 = tpu.memref_squeeze %dma_start3A_25 : memref<1x79x128xi32, #tpu.memory_space<hbm>> -> memref<79x128xi32, #tpu.memory_space<hbm>>
      %dma_start3A_27 = arith.constant 0 : i32
      %dma_start3A_28 = tpu.memref_slice %arg4[%arg1, %mul3A_4, %dma_start3A_27] : memref<16x158x128xi32, #tpu.memory_space<hbm>> -> memref<1x79x128xi32, #tpu.memory_space<hbm>>
      %dma_start3A_29 = tpu.memref_squeeze %dma_start3A_28 : memref<1x79x128xi32, #tpu.memory_space<hbm>> -> memref<79x128xi32, #tpu.memory_space<hbm>>
      tpu.enqueue_dma source(%dma_start3A_29 : memref<79x128xi32, #tpu.memory_space<hbm>>) target(%arg7 : memref<79x128xi32, #tpu.memory_space<vmem>>) target_semaphore(%run_scoped3A : memref<!tpu.dma_semaphore, #tpu.memory_space<semaphore_mem>>)
      %dma_wait3A = arith.constant 0 : i32
      %dma_wait3A_30 = tpu.memref_slice %arg4[%arg1, %mul3A_4, %dma_wait3A] : memref<16x158x128xi32, #tpu.memory_space<hbm>> -> memref<1x79x128xi32, #tpu.memory_space<hbm>>
      %dma_wait3A_31 = tpu.memref_squeeze %dma_wait3A_30 : memref<1x79x128xi32, #tpu.memory_space<hbm>> -> memref<79x128xi32, #tpu.memory_space<hbm>>
      %dma_wait3A_32 = arith.constant 0 : i32
      %dma_wait3A_33 = tpu.memref_slice %arg4[%arg1, %mul3A_4, %dma_wait3A_32] : memref<16x158x128xi32, #tpu.memory_space<hbm>> -> memref<1x79x128xi32, #tpu.memory_space<hbm>>
      %dma_wait3A_34 = tpu.memref_squeeze %dma_wait3A_33 : memref<1x79x128xi32, #tpu.memory_space<hbm>> -> memref<79x128xi32, #tpu.memory_space<hbm>>
      tpu.wait_dma2 semaphore(%run_scoped3A : memref<!tpu.dma_semaphore, #tpu.memory_space<semaphore_mem>>) src(%dma_wait3A_34 : memref<79x128xi32, #tpu.memory_space<hbm>>) dst(%arg7 : memref<79x128xi32, #tpu.memory_space<vmem>>)
      tpu.yield
    }) : () -> ()
    %broadcast_in_dim3A = arith.constant 0.000000e+00 : f32
    %broadcast_in_dim3A_5 = vector.broadcast %broadcast_in_dim3A : f32 to vector<16xf32>
    %scan3A = arith.constant 0 : i32
    %scan3A_6 = arith.constant 0 : i32
    %scan3A_7 = arith.constant 128 : i32
    %scan3A_8 = arith.addi %scan3A_6, %scan3A_7 : i32
    %scan3A_9 = arith.constant 1 : i32
    scf.for %scan3A_25 = %scan3A_6 to %scan3A_8 step %scan3A_9  : i32 {
      %swap3A = arith.index_cast %scan3A_25 : i32 to index
      %swap3A_26 = arith.constant 0 : index
      %swap3A_27 = tpu.vector_load %arg8[%swap3A, %swap3A_26] {strides = array<i32>} : memref<128x40xf32, #tpu.memory_space<vmem>>, vector<16xf32>,
      tpu.vector_store %arg8[%swap3A, %swap3A_26], %broadcast_in_dim3A_5 {strides = array<i32>} : memref<128x40xf32, #tpu.memory_space<vmem>>, vector<16xf32>,
      %swap3A_28 = arith.index_cast %scan3A_25 : i32 to index
      %swap3A_29 = arith.constant 16 : index
      %swap3A_30 = tpu.vector_load %arg8[%swap3A_28, %swap3A_29] {strides = array<i32>} : memref<128x40xf32, #tpu.memory_space<vmem>>, vector<16xf32>,
      tpu.vector_store %arg8[%swap3A_28, %swap3A_29], %broadcast_in_dim3A_5 {strides = array<i32>} : memref<128x40xf32, #tpu.memory_space<vmem>>, vector<16xf32>,
      %swap3A_31 = arith.index_cast %scan3A_25 : i32 to index
      %swap3A_32 = arith.constant 24 : index
      %swap3A_33 = tpu.vector_load %arg8[%swap3A_31, %swap3A_32] {strides = array<i32>} : memref<128x40xf32, #tpu.memory_space<vmem>>, vector<16xf32>,
      tpu.vector_store %arg8[%swap3A_31, %swap3A_32], %broadcast_in_dim3A_5 {strides = array<i32>} : memref<128x40xf32, #tpu.memory_space<vmem>>, vector<16xf32>,
    }
    %scan3A_10 = arith.constant 128 : i32
    %scan3A_11 = arith.constant 0 : i32
    %scan3A_12 = arith.constant 0 : i32
    %scan3A_13 = arith.constant 4 : i32
    %scan3A_14 = arith.addi %scan3A_12, %scan3A_13 : i32
    %scan3A_15 = arith.constant 1 : i32
    scf.for %scan3A_25 = %scan3A_12 to %scan3A_14 step %scan3A_15  : i32 {
      %mul3A_26 = arith.constant 128 : i32
      %mul3A_27 = arith.muli %scan3A_25, %mul3A_26 : i32
      %add3A_28 = arith.addi %mul3A_0, %mul3A_27 : i32
      "tpu.region"() ({
        %run_scoped3A = tpu.sem_alloc : memref<!tpu.dma_semaphore, #tpu.memory_space<semaphore_mem>>
        %dma_start3A = arith.constant 0 : i32
        %dma_start3A_29 = tpu.memref_slice %arg10[%add3A_28, %dma_start3A] : memref<10112x40xf32, #tpu.memory_space<vmem_shared>> -> memref<128x40xf32, #tpu.memory_space<vmem_shared>>
        %dma_start3A_30 = arith.constant 0 : i32
        %dma_start3A_31 = tpu.memref_slice %arg10[%add3A_28, %dma_start3A_30] : memref<10112x40xf32, #tpu.memory_space<vmem_shared>> -> memref<128x40xf32, #tpu.memory_space<vmem_shared>>
        tpu.enqueue_dma source(%arg8 : memref<128x40xf32, #tpu.memory_space<vmem>>) target(%dma_start3A_31 : memref<128x40xf32, #tpu.memory_space<vmem_shared>>) target_semaphore(%run_scoped3A : memref<!tpu.dma_semaphore, #tpu.memory_space<semaphore_mem>>)
        %dma_wait3A = arith.constant 0 : i32
        %dma_wait3A_32 = tpu.memref_slice %arg10[%add3A_28, %dma_wait3A] : memref<10112x40xf32, #tpu.memory_space<vmem_shared>> -> memref<128x40xf32, #tpu.memory_space<vmem_shared>>
        %dma_wait3A_33 = arith.constant 0 : i32
        %dma_wait3A_34 = tpu.memref_slice %arg10[%add3A_28, %dma_wait3A_33] : memref<10112x40xf32, #tpu.memory_space<vmem_shared>> -> memref<128x40xf32, #tpu.memory_space<vmem_shared>>
        tpu.wait_dma2 semaphore(%run_scoped3A : memref<!tpu.dma_semaphore, #tpu.memory_space<semaphore_mem>>) src(%arg8 : memref<128x40xf32, #tpu.memory_space<vmem>>) dst(%dma_wait3A_34 : memref<128x40xf32, #tpu.memory_space<vmem_shared>>)
        tpu.yield
      }) : () -> ()
    }
    %scan3A_16 = arith.constant 4 : i32
    %add3A = arith.constant 512 : i32
    %add3A_17 = arith.addi %mul3A_0, %add3A : i32
    "tpu.region"() ({
      %run_scoped3A = tpu.sem_alloc : memref<!tpu.dma_semaphore, #tpu.memory_space<semaphore_mem>>
      %dma_start3A = arith.constant 0 : i32
      %dma_start3A_25 = arith.constant 0 : i32
      %dma_start3A_26 = tpu.memref_slice %arg8[%dma_start3A, %dma_start3A_25] : memref<128x40xf32, #tpu.memory_space<vmem>> -> memref<120x40xf32, #tpu.memory_space<vmem>>
      %dma_start3A_27 = arith.constant 0 : i32
      %dma_start3A_28 = tpu.memref_slice %arg10[%add3A_17, %dma_start3A_27] : memref<10112x40xf32, #tpu.memory_space<vmem_shared>> -> memref<120x40xf32, #tpu.memory_space<vmem_shared>>
      %dma_start3A_29 = arith.constant 0 : i32
      %dma_start3A_30 = tpu.memref_slice %arg10[%add3A_17, %dma_start3A_29] : memref<10112x40xf32, #tpu.memory_space<vmem_shared>> -> memref<120x40xf32, #tpu.memory_space<vmem_shared>>
      %dma_start3A_31 = arith.constant 0 : i32
      %dma_start3A_32 = arith.constant 0 : i32
      %dma_start3A_33 = tpu.memref_slice %arg8[%dma_start3A_31, %dma_start3A_32] : memref<128x40xf32, #tpu.memory_space<vmem>> -> memref<120x40xf32, #tpu.memory_space<vmem>>
      tpu.enqueue_dma source(%dma_start3A_33 : memref<120x40xf32, #tpu.memory_space<vmem>>) target(%dma_start3A_30 : memref<120x40xf32, #tpu.memory_space<vmem_shared>>) target_semaphore(%run_scoped3A : memref<!tpu.dma_semaphore, #tpu.memory_space<semaphore_mem>>)
      %dma_wait3A = arith.constant 0 : i32
      %dma_wait3A_34 = arith.constant 0 : i32
      %dma_wait3A_35 = tpu.memref_slice %arg8[%dma_wait3A, %dma_wait3A_34] : memref<128x40xf32, #tpu.memory_space<vmem>> -> memref<120x40xf32, #tpu.memory_space<vmem>>
      %dma_wait3A_36 = arith.constant 0 : i32
      %dma_wait3A_37 = tpu.memref_slice %arg10[%add3A_17, %dma_wait3A_36] : memref<10112x40xf32, #tpu.memory_space<vmem_shared>> -> memref<120x40xf32, #tpu.memory_space<vmem_shared>>
      %dma_wait3A_38 = arith.constant 0 : i32
      %dma_wait3A_39 = tpu.memref_slice %arg10[%add3A_17, %dma_wait3A_38] : memref<10112x40xf32, #tpu.memory_space<vmem_shared>> -> memref<120x40xf32, #tpu.memory_space<vmem_shared>>
      %dma_wait3A_40 = arith.constant 0 : i32
      %dma_wait3A_41 = arith.constant 0 : i32
      %dma_wait3A_42 = tpu.memref_slice %arg8[%dma_wait3A_40, %dma_wait3A_41] : memref<128x40xf32, #tpu.memory_space<vmem>> -> memref<120x40xf32, #tpu.memory_space<vmem>>
      tpu.wait_dma2 semaphore(%run_scoped3A : memref<!tpu.dma_semaphore, #tpu.memory_space<semaphore_mem>>) src(%dma_wait3A_42 : memref<120x40xf32, #tpu.memory_space<vmem>>) dst(%dma_wait3A_39 : memref<120x40xf32, #tpu.memory_space<vmem_shared>>)
      tpu.yield
    }) : () -> ()
    %barrier3A = arith.constant 0 : index
    tpu.barrier barrier_id(%barrier3A)
    %scan3A_18 = arith.constant 0 : i32
    %scan3A_19 = arith.constant 0 : i32
    %scan3A_20 = arith.constant 79 : i32
    %scan3A_21 = arith.addi %scan3A_19, %scan3A_20 : i32
    %scan3A_22 = arith.constant 1 : i32
    scf.for %scan3A_25 = %scan3A_19 to %scan3A_21 step %scan3A_22  : i32 {
      %dma_start3A = arith.constant 0 : i32
      %dma_start3A_26 = tpu.memref_slice %arg6[%scan3A_25, %dma_start3A] : memref<79x128xi32, #tpu.memory_space<vmem>> -> memref<1x128xi32, #tpu.memory_space<vmem>>
      %dma_start3A_27 = tpu.memref_squeeze %dma_start3A_26 : memref<1x128xi32, #tpu.memory_space<vmem>> -> memref<128xi32, #tpu.memory_space<vmem>>
      %dma_start3A_28 = arith.constant 0 : i32
      %dma_start3A_29 = arith.constant 0 : i32
      %dma_start3A_30 = tpu.memref_slice %arg9[%dma_start3A_28, %dma_start3A_29] : memref<10112x40xf32, #tpu.memory_space<vmem_shared>> -> memref<10112x40xf32, #tpu.memory_space<vmem_shared>>
      tpu.enqueue_indirect_dma source(%dma_start3A_30 : memref<10112x40xf32, #tpu.memory_space<vmem_shared>>) target(%arg8 : memref<128x40xf32, #tpu.memory_space<vmem>>) offsets(%dma_start3A_27 : memref<128xi32, #tpu.memory_space<vmem>>) semaphore(%arg11 : memref<!tpu.dma_semaphore, #tpu.memory_space<semaphore_mem>>)
      %dma_wait3A = arith.constant 0 : i32
      %dma_wait3A_31 = tpu.memref_slice %arg6[%scan3A_25, %dma_wait3A] : memref<79x128xi32, #tpu.memory_space<vmem>> -> memref<1x128xi32, #tpu.memory_space<vmem>>
      %dma_wait3A_32 = tpu.memref_squeeze %dma_wait3A_31 : memref<1x128xi32, #tpu.memory_space<vmem>> -> memref<128xi32, #tpu.memory_space<vmem>>
      %dma_wait3A_33 = arith.constant 0 : i32
      %dma_wait3A_34 = arith.constant 0 : i32
      %dma_wait3A_35 = tpu.memref_slice %arg9[%dma_wait3A_33, %dma_wait3A_34] : memref<10112x40xf32, #tpu.memory_space<vmem_shared>> -> memref<10112x40xf32, #tpu.memory_space<vmem_shared>>
      tpu.wait_indirect_dma semaphore(%arg11 : memref<!tpu.dma_semaphore, #tpu.memory_space<semaphore_mem>>) src(%dma_wait3A_35 : memref<10112x40xf32, #tpu.memory_space<vmem_shared>>) dst(%arg8 : memref<128x40xf32, #tpu.memory_space<vmem>>)
      "tpu.region"() ({
        %run_scoped3A = tpu.sem_alloc : memref<!tpu.dma_semaphore, #tpu.memory_space<semaphore_mem>>
        %dma_start3A_36 = arith.constant 0 : i32
        %dma_start3A_37 = tpu.memref_slice %arg7[%scan3A_25, %dma_start3A_36] : memref<79x128xi32, #tpu.memory_space<vmem>> -> memref<1x128xi32, #tpu.memory_space<vmem>>
        %dma_start3A_38 = tpu.memref_squeeze %dma_start3A_37 : memref<1x128xi32, #tpu.memory_space<vmem>> -> memref<128xi32, #tpu.memory_space<vmem>>
        %dma_start3A_39 = arith.constant 0 : i32
        %dma_start3A_40 = arith.constant 0 : i32
        %dma_start3A_41 = tpu.memref_slice %arg10[%dma_start3A_39, %dma_start3A_40] : memref<10112x40xf32, #tpu.memory_space<vmem_shared>> -> memref<10112x40xf32, #tpu.memory_space<vmem_shared>>
        tpu.enqueue_indirect_dma source(%arg8 : memref<128x40xf32, #tpu.memory_space<vmem>>) target(%dma_start3A_41 : memref<10112x40xf32, #tpu.memory_space<vmem_shared>>) offsets(%dma_start3A_38 : memref<128xi32, #tpu.memory_space<vmem>>) semaphore(%run_scoped3A : memref<!tpu.dma_semaphore, #tpu.memory_space<semaphore_mem>>) {add = true}
        %dma_wait3A_42 = arith.constant 0 : i32
        %dma_wait3A_43 = tpu.memref_slice %arg7[%scan3A_25, %dma_wait3A_42] : memref<79x128xi32, #tpu.memory_space<vmem>> -> memref<1x128xi32, #tpu.memory_space<vmem>>
        %dma_wait3A_44 = tpu.memref_squeeze %dma_wait3A_43 : memref<1x128xi32, #tpu.memory_space<vmem>> -> memref<128xi32, #tpu.memory_space<vmem>>
        %dma_wait3A_45 = arith.constant 0 : i32
        %dma_wait3A_46 = arith.constant 0 : i32
        %dma_wait3A_47 = tpu.memref_slice %arg10[%dma_wait3A_45, %dma_wait3A_46] : memref<10112x40xf32, #tpu.memory_space<vmem_shared>> -> memref<10112x40xf32, #tpu.memory_space<vmem_shared>>
        tpu.wait_indirect_dma semaphore(%run_scoped3A : memref<!tpu.dma_semaphore, #tpu.memory_space<semaphore_mem>>) src(%arg8 : memref<128x40xf32, #tpu.memory_space<vmem>>) dst(%dma_wait3A_47 : memref<10112x40xf32, #tpu.memory_space<vmem_shared>>)
        tpu.yield
      }) : () -> ()
    }
    %scan3A_23 = arith.constant 79 : i32
    %barrier3A_24 = arith.constant 0 : index
    tpu.barrier barrier_id(%barrier3A_24)
    "tpu.region"() ({
      %run_scoped3A = tpu.sem_alloc : memref<!tpu.dma_semaphore, #tpu.memory_space<semaphore_mem>>
      %dma_start3A = arith.constant 0 : i32
      %dma_start3A_25 = tpu.memref_slice %arg5[%arg0, %mul3A_0, %dma_start3A] : memref<2x10112x40xf32, #tpu.memory_space<hbm>> -> memref<1x632x40xf32, #tpu.memory_space<hbm>>
      %dma_start3A_26 = tpu.memref_squeeze %dma_start3A_25 : memref<1x632x40xf32, #tpu.memory_space<hbm>> -> memref<632x40xf32, #tpu.memory_space<hbm>>
      %dma_start3A_27 = arith.constant 0 : i32
      %dma_start3A_28 = tpu.memref_slice %arg10[%mul3A_0, %dma_start3A_27] : memref<10112x40xf32, #tpu.memory_space<vmem_shared>> -> memref<632x40xf32, #tpu.memory_space<vmem_shared>>
      tpu.enqueue_dma source(%dma_start3A_28 : memref<632x40xf32, #tpu.memory_space<vmem_shared>>) target(%dma_start3A_26 : memref<632x40xf32, #tpu.memory_space<hbm>>) target_semaphore(%run_scoped3A : memref<!tpu.dma_semaphore, #tpu.memory_space<semaphore_mem>>)
      %dma_wait3A = arith.constant 0 : i32
      %dma_wait3A_29 = tpu.memref_slice %arg5[%arg0, %mul3A_0, %dma_wait3A] : memref<2x10112x40xf32, #tpu.memory_space<hbm>> -> memref<1x632x40xf32, #tpu.memory_space<hbm>>
      %dma_wait3A_30 = tpu.memref_squeeze %dma_wait3A_29 : memref<1x632x40xf32, #tpu.memory_space<hbm>> -> memref<632x40xf32, #tpu.memory_space<hbm>>
      %dma_wait3A_31 = arith.constant 0 : i32
      %dma_wait3A_32 = tpu.memref_slice %arg10[%mul3A_0, %dma_wait3A_31] : memref<10112x40xf32, #tpu.memory_space<vmem_shared>> -> memref<632x40xf32, #tpu.memory_space<vmem_shared>>
      tpu.wait_dma2 semaphore(%run_scoped3A : memref<!tpu.dma_semaphore, #tpu.memory_space<semaphore_mem>>) src(%dma_wait3A_32 : memref<632x40xf32, #tpu.memory_space<vmem_shared>>) dst(%dma_wait3A_30 : memref<632x40xf32, #tpu.memory_space<hbm>>)
      tpu.yield
    }) : () -> ()
    return
  }
}

#map = affine_map<(d0, d1) -> (0, 0, 0)>
#map1 = affine_map<(d0, d1) -> (0, 0)>
module attributes {stable_mosaic.version = 14 : i64} {
  func.func @deg_kernel(%arg0: i32, %arg1: i32, %arg2: memref<16x158x128xi32, #tpu.memory_space<hbm>>, %arg3: memref<16x158x128xi32, #tpu.memory_space<hbm>>, %arg4: memref<32x10112xf32, #tpu.memory_space<hbm>>, %arg5: memref<32x10112xf32, #tpu.memory_space<hbm>>, %arg6: memref<79x128xi32, #tpu.memory_space<vmem>>, %arg7: memref<79x128xi32, #tpu.memory_space<vmem>>, %arg8: memref<10112xf32, #tpu.memory_space<vmem>>, %arg9: memref<10112xf32, #tpu.memory_space<vmem>>) attributes {dimension_semantics = [#tpu.dimension_semantics<core_parallel>, #tpu.dimension_semantics<subcore_parallel>], iteration_bounds = array<i64: 2, 16>, scalar_prefetch = 0 : i64, scratch_operands = 4 : i64, tpu.core_type = #tpu.core_type<sc_vector_subcore>, window_params = [{transform_indices = #map}, {transform_indices = #map}, {transform_indices = #map1}, {transform_indices = #map1}]} {
    %mul3A = arith.constant 16 : i32
    %mul3A_0 = arith.muli %arg0, %mul3A : i32
    %add3A = arith.addi %mul3A_0, %arg1 : i32
    %mul3A_1 = arith.constant 79 : i32
    %mul3A_2 = arith.muli %arg0, %mul3A_1 : i32
    "tpu.region"() ({
      %run_scoped3A = tpu.sem_alloc : memref<!tpu.dma_semaphore, #tpu.memory_space<semaphore_mem>>
      %dma_start3A = arith.constant 0 : i32
      %dma_start3A_19 = tpu.memref_slice %arg2[%arg1, %mul3A_2, %dma_start3A] : memref<16x158x128xi32, #tpu.memory_space<hbm>> -> memref<1x79x128xi32, #tpu.memory_space<hbm>>
      %dma_start3A_20 = tpu.memref_squeeze %dma_start3A_19 : memref<1x79x128xi32, #tpu.memory_space<hbm>> -> memref<79x128xi32, #tpu.memory_space<hbm>>
      %dma_start3A_21 = arith.constant 0 : i32
      %dma_start3A_22 = tpu.memref_slice %arg2[%arg1, %mul3A_2, %dma_start3A_21] : memref<16x158x128xi32, #tpu.memory_space<hbm>> -> memref<1x79x128xi32, #tpu.memory_space<hbm>>
      %dma_start3A_23 = tpu.memref_squeeze %dma_start3A_22 : memref<1x79x128xi32, #tpu.memory_space<hbm>> -> memref<79x128xi32, #tpu.memory_space<hbm>>
      tpu.enqueue_dma source(%dma_start3A_23 : memref<79x128xi32, #tpu.memory_space<hbm>>) target(%arg6 : memref<79x128xi32, #tpu.memory_space<vmem>>) target_semaphore(%run_scoped3A : memref<!tpu.dma_semaphore, #tpu.memory_space<semaphore_mem>>)
      %dma_wait3A = arith.constant 0 : i32
      %dma_wait3A_24 = tpu.memref_slice %arg2[%arg1, %mul3A_2, %dma_wait3A] : memref<16x158x128xi32, #tpu.memory_space<hbm>> -> memref<1x79x128xi32, #tpu.memory_space<hbm>>
      %dma_wait3A_25 = tpu.memref_squeeze %dma_wait3A_24 : memref<1x79x128xi32, #tpu.memory_space<hbm>> -> memref<79x128xi32, #tpu.memory_space<hbm>>
      %dma_wait3A_26 = arith.constant 0 : i32
      %dma_wait3A_27 = tpu.memref_slice %arg2[%arg1, %mul3A_2, %dma_wait3A_26] : memref<16x158x128xi32, #tpu.memory_space<hbm>> -> memref<1x79x128xi32, #tpu.memory_space<hbm>>
      %dma_wait3A_28 = tpu.memref_squeeze %dma_wait3A_27 : memref<1x79x128xi32, #tpu.memory_space<hbm>> -> memref<79x128xi32, #tpu.memory_space<hbm>>
      tpu.wait_dma2 semaphore(%run_scoped3A : memref<!tpu.dma_semaphore, #tpu.memory_space<semaphore_mem>>) src(%dma_wait3A_28 : memref<79x128xi32, #tpu.memory_space<hbm>>) dst(%arg6 : memref<79x128xi32, #tpu.memory_space<vmem>>)
      tpu.yield
    }) : () -> ()
    %mul3A_3 = arith.constant 79 : i32
    %mul3A_4 = arith.muli %arg0, %mul3A_3 : i32
    "tpu.region"() ({
      %run_scoped3A = tpu.sem_alloc : memref<!tpu.dma_semaphore, #tpu.memory_space<semaphore_mem>>
      %dma_start3A = arith.constant 0 : i32
      %dma_start3A_19 = tpu.memref_slice %arg3[%arg1, %mul3A_4, %dma_start3A] : memref<16x158x128xi32, #tpu.memory_space<hbm>> -> memref<1x79x128xi32, #tpu.memory_space<hbm>>
      %dma_start3A_20 = tpu.memref_squeeze %dma_start3A_19 : memref<1x79x128xi32, #tpu.memory_space<hbm>> -> memref<79x128xi32, #tpu.memory_space<hbm>>
      %dma_start3A_21 = arith.constant 0 : i32
      %dma_start3A_22 = tpu.memref_slice %arg3[%arg1, %mul3A_4, %dma_start3A_21] : memref<16x158x128xi32, #tpu.memory_space<hbm>> -> memref<1x79x128xi32, #tpu.memory_space<hbm>>
      %dma_start3A_23 = tpu.memref_squeeze %dma_start3A_22 : memref<1x79x128xi32, #tpu.memory_space<hbm>> -> memref<79x128xi32, #tpu.memory_space<hbm>>
      tpu.enqueue_dma source(%dma_start3A_23 : memref<79x128xi32, #tpu.memory_space<hbm>>) target(%arg7 : memref<79x128xi32, #tpu.memory_space<vmem>>) target_semaphore(%run_scoped3A : memref<!tpu.dma_semaphore, #tpu.memory_space<semaphore_mem>>)
      %dma_wait3A = arith.constant 0 : i32
      %dma_wait3A_24 = tpu.memref_slice %arg3[%arg1, %mul3A_4, %dma_wait3A] : memref<16x158x128xi32, #tpu.memory_space<hbm>> -> memref<1x79x128xi32, #tpu.memory_space<hbm>>
      %dma_wait3A_25 = tpu.memref_squeeze %dma_wait3A_24 : memref<1x79x128xi32, #tpu.memory_space<hbm>> -> memref<79x128xi32, #tpu.memory_space<hbm>>
      %dma_wait3A_26 = arith.constant 0 : i32
      %dma_wait3A_27 = tpu.memref_slice %arg3[%arg1, %mul3A_4, %dma_wait3A_26] : memref<16x158x128xi32, #tpu.memory_space<hbm>> -> memref<1x79x128xi32, #tpu.memory_space<hbm>>
      %dma_wait3A_28 = tpu.memref_squeeze %dma_wait3A_27 : memref<1x79x128xi32, #tpu.memory_space<hbm>> -> memref<79x128xi32, #tpu.memory_space<hbm>>
      tpu.wait_dma2 semaphore(%run_scoped3A : memref<!tpu.dma_semaphore, #tpu.memory_space<semaphore_mem>>) src(%dma_wait3A_28 : memref<79x128xi32, #tpu.memory_space<hbm>>) dst(%arg7 : memref<79x128xi32, #tpu.memory_space<vmem>>)
      tpu.yield
    }) : () -> ()
    %broadcast_in_dim3A = arith.constant 0.000000e+00 : f32
    %broadcast_in_dim3A_5 = vector.broadcast %broadcast_in_dim3A : f32 to vector<16xf32>
    %scan3A = arith.constant 0 : i32
    %scan3A_6 = arith.constant 0 : i32
    %scan3A_7 = arith.constant 632 : i32
    %scan3A_8 = arith.addi %scan3A_6, %scan3A_7 : i32
    %scan3A_9 = arith.constant 1 : i32
    scf.for %scan3A_19 = %scan3A_6 to %scan3A_8 step %scan3A_9  : i32 {
      %mul3A_20 = arith.constant 16 : i32
      %mul3A_21 = arith.muli %scan3A_19, %mul3A_20 : i32
      %swap3A = arith.index_cast %mul3A_21 : i32 to index
      %swap3A_22 = tpu.vector_load %arg8[%swap3A] {strides = array<i32>} : memref<10112xf32, #tpu.memory_space<vmem>>, vector<16xf32>,
      tpu.vector_store %arg8[%swap3A], %broadcast_in_dim3A_5 {strides = array<i32>} : memref<10112xf32, #tpu.memory_space<vmem>>, vector<16xf32>,
      %mul3A_23 = arith.constant 16 : i32
      %mul3A_24 = arith.muli %scan3A_19, %mul3A_23 : i32
      %swap3A_25 = arith.index_cast %mul3A_24 : i32 to index
      %swap3A_26 = tpu.vector_load %arg9[%swap3A_25] {strides = array<i32>} : memref<10112xf32, #tpu.memory_space<vmem>>, vector<16xf32>,
      tpu.vector_store %arg9[%swap3A_25], %broadcast_in_dim3A_5 {strides = array<i32>} : memref<10112xf32, #tpu.memory_space<vmem>>, vector<16xf32>,
    }
    %scan3A_10 = arith.constant 632 : i32
    %broadcast_in_dim3A_11 = arith.constant 1.000000e+00 : f32
    %broadcast_in_dim3A_12 = vector.broadcast %broadcast_in_dim3A_11 : f32 to vector<16xf32>
    %scan3A_13 = arith.constant 0 : i32
    %scan3A_14 = arith.constant 0 : i32
    %scan3A_15 = arith.constant 79 : i32
    %scan3A_16 = arith.addi %scan3A_14, %scan3A_15 : i32
    %scan3A_17 = arith.constant 1 : i32
    scf.for %scan3A_19 = %scan3A_14 to %scan3A_16 step %scan3A_17  : i32 {
      %get3A = arith.index_cast %scan3A_19 : i32 to index
      %get3A_20 = arith.constant 0 : index
      %get3A_21 = tpu.vector_load %arg6[%get3A, %get3A_20] {strides = array<i32>} : memref<79x128xi32, #tpu.memory_space<vmem>>, vector<16xi32>,
      tpu.vector_store_idx %arg8[%get3A_21], %broadcast_in_dim3A_12 {add = true} : memref<10112xf32, #tpu.memory_space<vmem>>[vector<16xi32>], vector<16xf32>,
      %get3A_22 = arith.index_cast %scan3A_19 : i32 to index
      %get3A_23 = arith.constant 0 : index
      %get3A_24 = tpu.vector_load %arg7[%get3A_22, %get3A_23] {strides = array<i32>} : memref<79x128xi32, #tpu.memory_space<vmem>>, vector<16xi32>,
      tpu.vector_store_idx %arg9[%get3A_24], %broadcast_in_dim3A_12 {add = true} : memref<10112xf32, #tpu.memory_space<vmem>>[vector<16xi32>], vector<16xf32>,
      %get3A_25 = arith.index_cast %scan3A_19 : i32 to index
      %get3A_26 = arith.constant 16 : index
      %get3A_27 = tpu.vector_load %arg6[%get3A_25, %get3A_26] {strides = array<i32>} : memref<79x128xi32, #tpu.memory_space<vmem>>, vector<16xi32>,
      tpu.vector_store_idx %arg8[%get3A_27], %broadcast_in_dim3A_12 {add = true} : memref<10112xf32, #tpu.memory_space<vmem>>[vector<16xi32>], vector<16xf32>,
      %get3A_28 = arith.index_cast %scan3A_19 : i32 to index
      %get3A_29 = arith.constant 16 : index
      %get3A_30 = tpu.vector_load %arg7[%get3A_28, %get3A_29] {strides = array<i32>} : memref<79x128xi32, #tpu.memory_space<vmem>>, vector<16xi32>,
      tpu.vector_store_idx %arg9[%get3A_30], %broadcast_in_dim3A_12 {add = true} : memref<10112xf32, #tpu.memory_space<vmem>>[vector<16xi32>], vector<16xf32>,
      %get3A_31 = arith.index_cast %scan3A_19 : i32 to index
      %get3A_32 = arith.constant 32 : index
      %get3A_33 = tpu.vector_load %arg6[%get3A_31, %get3A_32] {strides = array<i32>} : memref<79x128xi32, #tpu.memory_space<vmem>>, vector<16xi32>,
      tpu.vector_store_idx %arg8[%get3A_33], %broadcast_in_dim3A_12 {add = true} : memref<10112xf32, #tpu.memory_space<vmem>>[vector<16xi32>], vector<16xf32>,
      %get3A_34 = arith.index_cast %scan3A_19 : i32 to index
      %get3A_35 = arith.constant 32 : index
      %get3A_36 = tpu.vector_load %arg7[%get3A_34, %get3A_35] {strides = array<i32>} : memref<79x128xi32, #tpu.memory_space<vmem>>, vector<16xi32>,
      tpu.vector_store_idx %arg9[%get3A_36], %broadcast_in_dim3A_12 {add = true} : memref<10112xf32, #tpu.memory_space<vmem>>[vector<16xi32>], vector<16xf32>,
      %get3A_37 = arith.index_cast %scan3A_19 : i32 to index
      %get3A_38 = arith.constant 48 : index
      %get3A_39 = tpu.vector_load %arg6[%get3A_37, %get3A_38] {strides = array<i32>} : memref<79x128xi32, #tpu.memory_space<vmem>>, vector<16xi32>,
      tpu.vector_store_idx %arg8[%get3A_39], %broadcast_in_dim3A_12 {add = true} : memref<10112xf32, #tpu.memory_space<vmem>>[vector<16xi32>], vector<16xf32>,
      %get3A_40 = arith.index_cast %scan3A_19 : i32 to index
      %get3A_41 = arith.constant 48 : index
      %get3A_42 = tpu.vector_load %arg7[%get3A_40, %get3A_41] {strides = array<i32>} : memref<79x128xi32, #tpu.memory_space<vmem>>, vector<16xi32>,
      tpu.vector_store_idx %arg9[%get3A_42], %broadcast_in_dim3A_12 {add = true} : memref<10112xf32, #tpu.memory_space<vmem>>[vector<16xi32>], vector<16xf32>,
      %get3A_43 = arith.index_cast %scan3A_19 : i32 to index
      %get3A_44 = arith.constant 64 : index
      %get3A_45 = tpu.vector_load %arg6[%get3A_43, %get3A_44] {strides = array<i32>} : memref<79x128xi32, #tpu.memory_space<vmem>>, vector<16xi32>,
      tpu.vector_store_idx %arg8[%get3A_45], %broadcast_in_dim3A_12 {add = true} : memref<10112xf32, #tpu.memory_space<vmem>>[vector<16xi32>], vector<16xf32>,
      %get3A_46 = arith.index_cast %scan3A_19 : i32 to index
      %get3A_47 = arith.constant 64 : index
      %get3A_48 = tpu.vector_load %arg7[%get3A_46, %get3A_47] {strides = array<i32>} : memref<79x128xi32, #tpu.memory_space<vmem>>, vector<16xi32>,
      tpu.vector_store_idx %arg9[%get3A_48], %broadcast_in_dim3A_12 {add = true} : memref<10112xf32, #tpu.memory_space<vmem>>[vector<16xi32>], vector<16xf32>,
      %get3A_49 = arith.index_cast %scan3A_19 : i32 to index
      %get3A_50 = arith.constant 80 : index
      %get3A_51 = tpu.vector_load %arg6[%get3A_49, %get3A_50] {strides = array<i32>} : memref<79x128xi32, #tpu.memory_space<vmem>>, vector<16xi32>,
      tpu.vector_store_idx %arg8[%get3A_51], %broadcast_in_dim3A_12 {add = true} : memref<10112xf32, #tpu.memory_space<vmem>>[vector<16xi32>], vector<16xf32>,
      %get3A_52 = arith.index_cast %scan3A_19 : i32 to index
      %get3A_53 = arith.constant 80 : index
      %get3A_54 = tpu.vector_load %arg7[%get3A_52, %get3A_53] {strides = array<i32>} : memref<79x128xi32, #tpu.memory_space<vmem>>, vector<16xi32>,
      tpu.vector_store_idx %arg9[%get3A_54], %broadcast_in_dim3A_12 {add = true} : memref<10112xf32, #tpu.memory_space<vmem>>[vector<16xi32>], vector<16xf32>,
      %get3A_55 = arith.index_cast %scan3A_19 : i32 to index
      %get3A_56 = arith.constant 96 : index
      %get3A_57 = tpu.vector_load %arg6[%get3A_55, %get3A_56] {strides = array<i32>} : memref<79x128xi32, #tpu.memory_space<vmem>>, vector<16xi32>,
      tpu.vector_store_idx %arg8[%get3A_57], %broadcast_in_dim3A_12 {add = true} : memref<10112xf32, #tpu.memory_space<vmem>>[vector<16xi32>], vector<16xf32>,
      %get3A_58 = arith.index_cast %scan3A_19 : i32 to index
      %get3A_59 = arith.constant 96 : index
      %get3A_60 = tpu.vector_load %arg7[%get3A_58, %get3A_59] {strides = array<i32>} : memref<79x128xi32, #tpu.memory_space<vmem>>, vector<16xi32>,
      tpu.vector_store_idx %arg9[%get3A_60], %broadcast_in_dim3A_12 {add = true} : memref<10112xf32, #tpu.memory_space<vmem>>[vector<16xi32>], vector<16xf32>,
      %get3A_61 = arith.index_cast %scan3A_19 : i32 to index
      %get3A_62 = arith.constant 112 : index
      %get3A_63 = tpu.vector_load %arg6[%get3A_61, %get3A_62] {strides = array<i32>} : memref<79x128xi32, #tpu.memory_space<vmem>>, vector<16xi32>,
      tpu.vector_store_idx %arg8[%get3A_63], %broadcast_in_dim3A_12 {add = true} : memref<10112xf32, #tpu.memory_space<vmem>>[vector<16xi32>], vector<16xf32>,
      %get3A_64 = arith.index_cast %scan3A_19 : i32 to index
      %get3A_65 = arith.constant 112 : index
      %get3A_66 = tpu.vector_load %arg7[%get3A_64, %get3A_65] {strides = array<i32>} : memref<79x128xi32, #tpu.memory_space<vmem>>, vector<16xi32>,
      tpu.vector_store_idx %arg9[%get3A_66], %broadcast_in_dim3A_12 {add = true} : memref<10112xf32, #tpu.memory_space<vmem>>[vector<16xi32>], vector<16xf32>,
    }
    %scan3A_18 = arith.constant 79 : i32
    "tpu.region"() ({
      %run_scoped3A = tpu.sem_alloc : memref<!tpu.dma_semaphore, #tpu.memory_space<semaphore_mem>>
      %dma_start3A = arith.constant 0 : i32
      %dma_start3A_19 = tpu.memref_slice %arg4[%add3A, %dma_start3A] : memref<32x10112xf32, #tpu.memory_space<hbm>> -> memref<1x10112xf32, #tpu.memory_space<hbm>>
      %dma_start3A_20 = tpu.memref_squeeze %dma_start3A_19 : memref<1x10112xf32, #tpu.memory_space<hbm>> -> memref<10112xf32, #tpu.memory_space<hbm>>
      %dma_start3A_21 = arith.constant 0 : i32
      %dma_start3A_22 = tpu.memref_slice %arg4[%add3A, %dma_start3A_21] : memref<32x10112xf32, #tpu.memory_space<hbm>> -> memref<1x10112xf32, #tpu.memory_space<hbm>>
      %dma_start3A_23 = tpu.memref_squeeze %dma_start3A_22 : memref<1x10112xf32, #tpu.memory_space<hbm>> -> memref<10112xf32, #tpu.memory_space<hbm>>
      tpu.enqueue_dma source(%arg8 : memref<10112xf32, #tpu.memory_space<vmem>>) target(%dma_start3A_23 : memref<10112xf32, #tpu.memory_space<hbm>>) target_semaphore(%run_scoped3A : memref<!tpu.dma_semaphore, #tpu.memory_space<semaphore_mem>>)
      %dma_wait3A = arith.constant 0 : i32
      %dma_wait3A_24 = tpu.memref_slice %arg4[%add3A, %dma_wait3A] : memref<32x10112xf32, #tpu.memory_space<hbm>> -> memref<1x10112xf32, #tpu.memory_space<hbm>>
      %dma_wait3A_25 = tpu.memref_squeeze %dma_wait3A_24 : memref<1x10112xf32, #tpu.memory_space<hbm>> -> memref<10112xf32, #tpu.memory_space<hbm>>
      %dma_wait3A_26 = arith.constant 0 : i32
      %dma_wait3A_27 = tpu.memref_slice %arg4[%add3A, %dma_wait3A_26] : memref<32x10112xf32, #tpu.memory_space<hbm>> -> memref<1x10112xf32, #tpu.memory_space<hbm>>
      %dma_wait3A_28 = tpu.memref_squeeze %dma_wait3A_27 : memref<1x10112xf32, #tpu.memory_space<hbm>> -> memref<10112xf32, #tpu.memory_space<hbm>>
      tpu.wait_dma2 semaphore(%run_scoped3A : memref<!tpu.dma_semaphore, #tpu.memory_space<semaphore_mem>>) src(%arg8 : memref<10112xf32, #tpu.memory_space<vmem>>) dst(%dma_wait3A_28 : memref<10112xf32, #tpu.memory_space<hbm>>)
      tpu.yield
    }) : () -> ()
    "tpu.region"() ({
      %run_scoped3A = tpu.sem_alloc : memref<!tpu.dma_semaphore, #tpu.memory_space<semaphore_mem>>
      %dma_start3A = arith.constant 0 : i32
      %dma_start3A_19 = tpu.memref_slice %arg5[%add3A, %dma_start3A] : memref<32x10112xf32, #tpu.memory_space<hbm>> -> memref<1x10112xf32, #tpu.memory_space<hbm>>
      %dma_start3A_20 = tpu.memref_squeeze %dma_start3A_19 : memref<1x10112xf32, #tpu.memory_space<hbm>> -> memref<10112xf32, #tpu.memory_space<hbm>>
      %dma_start3A_21 = arith.constant 0 : i32
      %dma_start3A_22 = tpu.memref_slice %arg5[%add3A, %dma_start3A_21] : memref<32x10112xf32, #tpu.memory_space<hbm>> -> memref<1x10112xf32, #tpu.memory_space<hbm>>
      %dma_start3A_23 = tpu.memref_squeeze %dma_start3A_22 : memref<1x10112xf32, #tpu.memory_space<hbm>> -> memref<10112xf32, #tpu.memory_space<hbm>>
      tpu.enqueue_dma source(%arg9 : memref<10112xf32, #tpu.memory_space<vmem>>) target(%dma_start3A_23 : memref<10112xf32, #tpu.memory_space<hbm>>) target_semaphore(%run_scoped3A : memref<!tpu.dma_semaphore, #tpu.memory_space<semaphore_mem>>)
      %dma_wait3A = arith.constant 0 : i32
      %dma_wait3A_24 = tpu.memref_slice %arg5[%add3A, %dma_wait3A] : memref<32x10112xf32, #tpu.memory_space<hbm>> -> memref<1x10112xf32, #tpu.memory_space<hbm>>
      %dma_wait3A_25 = tpu.memref_squeeze %dma_wait3A_24 : memref<1x10112xf32, #tpu.memory_space<hbm>> -> memref<10112xf32, #tpu.memory_space<hbm>>
      %dma_wait3A_26 = arith.constant 0 : i32
      %dma_wait3A_27 = tpu.memref_slice %arg5[%add3A, %dma_wait3A_26] : memref<32x10112xf32, #tpu.memory_space<hbm>> -> memref<1x10112xf32, #tpu.memory_space<hbm>>
      %dma_wait3A_28 = tpu.memref_squeeze %dma_wait3A_27 : memref<1x10112xf32, #tpu.memory_space<hbm>> -> memref<10112xf32, #tpu.memory_space<hbm>>
      tpu.wait_dma2 semaphore(%run_scoped3A : memref<!tpu.dma_semaphore, #tpu.memory_space<semaphore_mem>>) src(%arg9 : memref<10112xf32, #tpu.memory_space<vmem>>) dst(%dma_wait3A_28 : memref<10112xf32, #tpu.memory_space<hbm>>)
      tpu.yield
    }) : () -> ()
    return
  }
}

#map = affine_map<(d0, d1) -> (0, 0)>
#map1 = affine_map<(d0, d1) -> (0, 0, 0)>
module attributes {stable_mosaic.version = 14 : i64} {
  func.func @agg_kernel(%arg0: i32, %arg1: i32, %arg2: memref<10112x64xf32, #tpu.memory_space<hbm>>, %arg3: memref<10112x64xf32, #tpu.memory_space<hbm>>, %arg4: memref<16x158x128xi32, #tpu.memory_space<hbm>>, %arg5: memref<16x158x128xi32, #tpu.memory_space<hbm>>, %arg6: memref<2x10112x64xf32, #tpu.memory_space<hbm>>, %arg7: memref<79x128xi32, #tpu.memory_space<vmem>>, %arg8: memref<79x128xi32, #tpu.memory_space<vmem>>, %arg9: memref<128x64xf32, #tpu.memory_space<vmem>>, %arg10: memref<10112x64xf32, #tpu.memory_space<vmem_shared>>, %arg11: memref<10112x64xf32, #tpu.memory_space<vmem_shared>>, %arg12: memref<!tpu.dma_semaphore, #tpu.memory_space<semaphore_mem>>) attributes {dimension_semantics = [#tpu.dimension_semantics<core_parallel>, #tpu.dimension_semantics<subcore_parallel>], iteration_bounds = array<i64: 2, 16>, scalar_prefetch = 0 : i64, scratch_operands = 6 : i64, tpu.core_type = #tpu.core_type<sc_vector_subcore>, window_params = [{transform_indices = #map}, {transform_indices = #map}, {transform_indices = #map1}, {transform_indices = #map1}, {transform_indices = #map1}]} {
    %mul3A = arith.constant 632 : i32
    %mul3A_0 = arith.muli %arg1, %mul3A : i32
    %eq3A = arith.constant 0 : i32
    %eq3A_1 = arith.cmpi eq, %arg0, %eq3A : i32
    %convert_element_type3A = arith.extui %eq3A_1 : i1 to i32
    %cond3A = arith.constant 0 : i32
    %cond3A_2 = arith.cmpi ne, %convert_element_type3A, %cond3A : i32
    scf.if %cond3A_2 {
      "tpu.region"() ({
        %run_scoped3A = tpu.sem_alloc : memref<!tpu.dma_semaphore, #tpu.memory_space<semaphore_mem>>
        %dma_start3A = arith.constant 0 : i32
        %dma_start3A_34 = tpu.memref_slice %arg10[%mul3A_0, %dma_start3A] : memref<10112x64xf32, #tpu.memory_space<vmem_shared>> -> memref<632x64xf32, #tpu.memory_space<vmem_shared>>
        %dma_start3A_35 = arith.constant 0 : i32
        %dma_start3A_36 = tpu.memref_slice %arg2[%mul3A_0, %dma_start3A_35] : memref<10112x64xf32, #tpu.memory_space<hbm>> -> memref<632x64xf32, #tpu.memory_space<hbm>>
        tpu.enqueue_dma source(%dma_start3A_36 : memref<632x64xf32, #tpu.memory_space<hbm>>) target(%dma_start3A_34 : memref<632x64xf32, #tpu.memory_space<vmem_shared>>) target_semaphore(%run_scoped3A : memref<!tpu.dma_semaphore, #tpu.memory_space<semaphore_mem>>)
        %dma_wait3A = arith.constant 0 : i32
        %dma_wait3A_37 = tpu.memref_slice %arg10[%mul3A_0, %dma_wait3A] : memref<10112x64xf32, #tpu.memory_space<vmem_shared>> -> memref<632x64xf32, #tpu.memory_space<vmem_shared>>
        %dma_wait3A_38 = arith.constant 0 : i32
        %dma_wait3A_39 = tpu.memref_slice %arg2[%mul3A_0, %dma_wait3A_38] : memref<10112x64xf32, #tpu.memory_space<hbm>> -> memref<632x64xf32, #tpu.memory_space<hbm>>
        tpu.wait_dma2 semaphore(%run_scoped3A : memref<!tpu.dma_semaphore, #tpu.memory_space<semaphore_mem>>) src(%dma_wait3A_39 : memref<632x64xf32, #tpu.memory_space<hbm>>) dst(%dma_wait3A_37 : memref<632x64xf32, #tpu.memory_space<vmem_shared>>)
        tpu.yield
      }) : () -> ()
    } else {
    }
    %eq3A_3 = arith.constant 1 : i32
    %eq3A_4 = arith.cmpi eq, %arg0, %eq3A_3 : i32
    %convert_element_type3A_5 = arith.extui %eq3A_4 : i1 to i32
    %cond3A_6 = arith.constant 0 : i32
    %cond3A_7 = arith.cmpi ne, %convert_element_type3A_5, %cond3A_6 : i32
    scf.if %cond3A_7 {
      "tpu.region"() ({
        %run_scoped3A = tpu.sem_alloc : memref<!tpu.dma_semaphore, #tpu.memory_space<semaphore_mem>>
        %dma_start3A = arith.constant 0 : i32
        %dma_start3A_34 = tpu.memref_slice %arg10[%mul3A_0, %dma_start3A] : memref<10112x64xf32, #tpu.memory_space<vmem_shared>> -> memref<632x64xf32, #tpu.memory_space<vmem_shared>>
        %dma_start3A_35 = arith.constant 0 : i32
        %dma_start3A_36 = tpu.memref_slice %arg3[%mul3A_0, %dma_start3A_35] : memref<10112x64xf32, #tpu.memory_space<hbm>> -> memref<632x64xf32, #tpu.memory_space<hbm>>
        tpu.enqueue_dma source(%dma_start3A_36 : memref<632x64xf32, #tpu.memory_space<hbm>>) target(%dma_start3A_34 : memref<632x64xf32, #tpu.memory_space<vmem_shared>>) target_semaphore(%run_scoped3A : memref<!tpu.dma_semaphore, #tpu.memory_space<semaphore_mem>>)
        %dma_wait3A = arith.constant 0 : i32
        %dma_wait3A_37 = tpu.memref_slice %arg10[%mul3A_0, %dma_wait3A] : memref<10112x64xf32, #tpu.memory_space<vmem_shared>> -> memref<632x64xf32, #tpu.memory_space<vmem_shared>>
        %dma_wait3A_38 = arith.constant 0 : i32
        %dma_wait3A_39 = tpu.memref_slice %arg3[%mul3A_0, %dma_wait3A_38] : memref<10112x64xf32, #tpu.memory_space<hbm>> -> memref<632x64xf32, #tpu.memory_space<hbm>>
        tpu.wait_dma2 semaphore(%run_scoped3A : memref<!tpu.dma_semaphore, #tpu.memory_space<semaphore_mem>>) src(%dma_wait3A_39 : memref<632x64xf32, #tpu.memory_space<hbm>>) dst(%dma_wait3A_37 : memref<632x64xf32, #tpu.memory_space<vmem_shared>>)
        tpu.yield
      }) : () -> ()
    } else {
    }
    %broadcast_in_dim3A = arith.constant 0.000000e+00 : f32
    %broadcast_in_dim3A_8 = vector.broadcast %broadcast_in_dim3A : f32 to vector<16xf32>
    %scan3A = arith.constant 0 : i32
    %scan3A_9 = arith.constant 0 : i32
    %scan3A_10 = arith.constant 128 : i32
    %scan3A_11 = arith.addi %scan3A_9, %scan3A_10 : i32
    %scan3A_12 = arith.constant 1 : i32
    scf.for %scan3A_34 = %scan3A_9 to %scan3A_11 step %scan3A_12  : i32 {
      %swap3A = arith.index_cast %scan3A_34 : i32 to index
      %swap3A_35 = arith.constant 0 : index
      %swap3A_36 = tpu.vector_load %arg9[%swap3A, %swap3A_35] {strides = array<i32>} : memref<128x64xf32, #tpu.memory_space<vmem>>, vector<16xf32>,
      tpu.vector_store %arg9[%swap3A, %swap3A_35], %broadcast_in_dim3A_8 {strides = array<i32>} : memref<128x64xf32, #tpu.memory_space<vmem>>, vector<16xf32>,
      %swap3A_37 = arith.index_cast %scan3A_34 : i32 to index
      %swap3A_38 = arith.constant 16 : index
      %swap3A_39 = tpu.vector_load %arg9[%swap3A_37, %swap3A_38] {strides = array<i32>} : memref<128x64xf32, #tpu.memory_space<vmem>>, vector<16xf32>,
      tpu.vector_store %arg9[%swap3A_37, %swap3A_38], %broadcast_in_dim3A_8 {strides = array<i32>} : memref<128x64xf32, #tpu.memory_space<vmem>>, vector<16xf32>,
      %swap3A_40 = arith.index_cast %scan3A_34 : i32 to index
      %swap3A_41 = arith.constant 32 : index
      %swap3A_42 = tpu.vector_load %arg9[%swap3A_40, %swap3A_41] {strides = array<i32>} : memref<128x64xf32, #tpu.memory_space<vmem>>, vector<16xf32>,
      tpu.vector_store %arg9[%swap3A_40, %swap3A_41], %broadcast_in_dim3A_8 {strides = array<i32>} : memref<128x64xf32, #tpu.memory_space<vmem>>, vector<16xf32>,
      %swap3A_43 = arith.index_cast %scan3A_34 : i32 to index
      %swap3A_44 = arith.constant 48 : index
      %swap3A_45 = tpu.vector_load %arg9[%swap3A_43, %swap3A_44] {strides = array<i32>} : memref<128x64xf32, #tpu.memory_space<vmem>>, vector<16xf32>,
      tpu.vector_store %arg9[%swap3A_43, %swap3A_44], %broadcast_in_dim3A_8 {strides = array<i32>} : memref<128x64xf32, #tpu.memory_space<vmem>>, vector<16xf32>,
    }
    %scan3A_13 = arith.constant 128 : i32
    %scan3A_14 = arith.constant 0 : i32
    %scan3A_15 = arith.constant 0 : i32
    %scan3A_16 = arith.constant 4 : i32
    %scan3A_17 = arith.addi %scan3A_15, %scan3A_16 : i32
    %scan3A_18 = arith.constant 1 : i32
    scf.for %scan3A_34 = %scan3A_15 to %scan3A_17 step %scan3A_18  : i32 {
      %mul3A_35 = arith.constant 128 : i32
      %mul3A_36 = arith.muli %scan3A_34, %mul3A_35 : i32
      %add3A_37 = arith.addi %mul3A_0, %mul3A_36 : i32
      "tpu.region"() ({
        %run_scoped3A = tpu.sem_alloc : memref<!tpu.dma_semaphore, #tpu.memory_space<semaphore_mem>>
        %dma_start3A = arith.constant 0 : i32
        %dma_start3A_38 = tpu.memref_slice %arg11[%add3A_37, %dma_start3A] : memref<10112x64xf32, #tpu.memory_space<vmem_shared>> -> memref<128x64xf32, #tpu.memory_space<vmem_shared>>
        %dma_start3A_39 = arith.constant 0 : i32
        %dma_start3A_40 = tpu.memref_slice %arg11[%add3A_37, %dma_start3A_39] : memref<10112x64xf32, #tpu.memory_space<vmem_shared>> -> memref<128x64xf32, #tpu.memory_space<vmem_shared>>
        tpu.enqueue_dma source(%arg9 : memref<128x64xf32, #tpu.memory_space<vmem>>) target(%dma_start3A_40 : memref<128x64xf32, #tpu.memory_space<vmem_shared>>) target_semaphore(%run_scoped3A : memref<!tpu.dma_semaphore, #tpu.memory_space<semaphore_mem>>)
        %dma_wait3A = arith.constant 0 : i32
        %dma_wait3A_41 = tpu.memref_slice %arg11[%add3A_37, %dma_wait3A] : memref<10112x64xf32, #tpu.memory_space<vmem_shared>> -> memref<128x64xf32, #tpu.memory_space<vmem_shared>>
        %dma_wait3A_42 = arith.constant 0 : i32
        %dma_wait3A_43 = tpu.memref_slice %arg11[%add3A_37, %dma_wait3A_42] : memref<10112x64xf32, #tpu.memory_space<vmem_shared>> -> memref<128x64xf32, #tpu.memory_space<vmem_shared>>
        tpu.wait_dma2 semaphore(%run_scoped3A : memref<!tpu.dma_semaphore, #tpu.memory_space<semaphore_mem>>) src(%arg9 : memref<128x64xf32, #tpu.memory_space<vmem>>) dst(%dma_wait3A_43 : memref<128x64xf32, #tpu.memory_space<vmem_shared>>)
        tpu.yield
      }) : () -> ()
    }
    %scan3A_19 = arith.constant 4 : i32
    %add3A = arith.constant 512 : i32
    %add3A_20 = arith.addi %mul3A_0, %add3A : i32
    "tpu.region"() ({
      %run_scoped3A = tpu.sem_alloc : memref<!tpu.dma_semaphore, #tpu.memory_space<semaphore_mem>>
      %dma_start3A = arith.constant 0 : i32
      %dma_start3A_34 = arith.constant 0 : i32
      %dma_start3A_35 = tpu.memref_slice %arg9[%dma_start3A, %dma_start3A_34] : memref<128x64xf32, #tpu.memory_space<vmem>> -> memref<120x64xf32, #tpu.memory_space<vmem>>
      %dma_start3A_36 = arith.constant 0 : i32
      %dma_start3A_37 = tpu.memref_slice %arg11[%add3A_20, %dma_start3A_36] : memref<10112x64xf32, #tpu.memory_space<vmem_shared>> -> memref<120x64xf32, #tpu.memory_space<vmem_shared>>
      %dma_start3A_38 = arith.constant 0 : i32
      %dma_start3A_39 = tpu.memref_slice %arg11[%add3A_20, %dma_start3A_38] : memref<10112x64xf32, #tpu.memory_space<vmem_shared>> -> memref<120x64xf32, #tpu.memory_space<vmem_shared>>
      %dma_start3A_40 = arith.constant 0 : i32
      %dma_start3A_41 = arith.constant 0 : i32
      %dma_start3A_42 = tpu.memref_slice %arg9[%dma_start3A_40, %dma_start3A_41] : memref<128x64xf32, #tpu.memory_space<vmem>> -> memref<120x64xf32, #tpu.memory_space<vmem>>
      tpu.enqueue_dma source(%dma_start3A_42 : memref<120x64xf32, #tpu.memory_space<vmem>>) target(%dma_start3A_39 : memref<120x64xf32, #tpu.memory_space<vmem_shared>>) target_semaphore(%run_scoped3A : memref<!tpu.dma_semaphore, #tpu.memory_space<semaphore_mem>>)
      %dma_wait3A = arith.constant 0 : i32
      %dma_wait3A_43 = arith.constant 0 : i32
      %dma_wait3A_44 = tpu.memref_slice %arg9[%dma_wait3A, %dma_wait3A_43] : memref<128x64xf32, #tpu.memory_space<vmem>> -> memref<120x64xf32, #tpu.memory_space<vmem>>
      %dma_wait3A_45 = arith.constant 0 : i32
      %dma_wait3A_46 = tpu.memref_slice %arg11[%add3A_20, %dma_wait3A_45] : memref<10112x64xf32, #tpu.memory_space<vmem_shared>> -> memref<120x64xf32, #tpu.memory_space<vmem_shared>>
      %dma_wait3A_47 = arith.constant 0 : i32
      %dma_wait3A_48 = tpu.memref_slice %arg11[%add3A_20, %dma_wait3A_47] : memref<10112x64xf32, #tpu.memory_space<vmem_shared>> -> memref<120x64xf32, #tpu.memory_space<vmem_shared>>
      %dma_wait3A_49 = arith.constant 0 : i32
      %dma_wait3A_50 = arith.constant 0 : i32
      %dma_wait3A_51 = tpu.memref_slice %arg9[%dma_wait3A_49, %dma_wait3A_50] : memref<128x64xf32, #tpu.memory_space<vmem>> -> memref<120x64xf32, #tpu.memory_space<vmem>>
      tpu.wait_dma2 semaphore(%run_scoped3A : memref<!tpu.dma_semaphore, #tpu.memory_space<semaphore_mem>>) src(%dma_wait3A_51 : memref<120x64xf32, #tpu.memory_space<vmem>>) dst(%dma_wait3A_48 : memref<120x64xf32, #tpu.memory_space<vmem_shared>>)
      tpu.yield
    }) : () -> ()
    %barrier3A = arith.constant 0 : index
    tpu.barrier barrier_id(%barrier3A)
    "tpu.region"() ({
      %run_scoped3A = tpu.sem_alloc : memref<!tpu.dma_semaphore, #tpu.memory_space<semaphore_mem>>
      %dma_start3A = arith.constant 0 : i32
      %dma_start3A_34 = arith.constant 0 : i32
      %dma_start3A_35 = tpu.memref_slice %arg4[%arg1, %dma_start3A, %dma_start3A_34] : memref<16x158x128xi32, #tpu.memory_space<hbm>> -> memref<1x79x128xi32, #tpu.memory_space<hbm>>
      %dma_start3A_36 = tpu.memref_squeeze %dma_start3A_35 : memref<1x79x128xi32, #tpu.memory_space<hbm>> -> memref<79x128xi32, #tpu.memory_space<hbm>>
      %dma_start3A_37 = arith.constant 0 : i32
      %dma_start3A_38 = arith.constant 0 : i32
      %dma_start3A_39 = tpu.memref_slice %arg4[%arg1, %dma_start3A_37, %dma_start3A_38] : memref<16x158x128xi32, #tpu.memory_space<hbm>> -> memref<1x79x128xi32, #tpu.memory_space<hbm>>
      %dma_start3A_40 = tpu.memref_squeeze %dma_start3A_39 : memref<1x79x128xi32, #tpu.memory_space<hbm>> -> memref<79x128xi32, #tpu.memory_space<hbm>>
      tpu.enqueue_dma source(%dma_start3A_40 : memref<79x128xi32, #tpu.memory_space<hbm>>) target(%arg7 : memref<79x128xi32, #tpu.memory_space<vmem>>) target_semaphore(%run_scoped3A : memref<!tpu.dma_semaphore, #tpu.memory_space<semaphore_mem>>)
      %dma_wait3A = arith.constant 0 : i32
      %dma_wait3A_41 = arith.constant 0 : i32
      %dma_wait3A_42 = tpu.memref_slice %arg4[%arg1, %dma_wait3A, %dma_wait3A_41] : memref<16x158x128xi32, #tpu.memory_space<hbm>> -> memref<1x79x128xi32, #tpu.memory_space<hbm>>
      %dma_wait3A_43 = tpu.memref_squeeze %dma_wait3A_42 : memref<1x79x128xi32, #tpu.memory_space<hbm>> -> memref<79x128xi32, #tpu.memory_space<hbm>>
      %dma_wait3A_44 = arith.constant 0 : i32
      %dma_wait3A_45 = arith.constant 0 : i32
      %dma_wait3A_46 = tpu.memref_slice %arg4[%arg1, %dma_wait3A_44, %dma_wait3A_45] : memref<16x158x128xi32, #tpu.memory_space<hbm>> -> memref<1x79x128xi32, #tpu.memory_space<hbm>>
      %dma_wait3A_47 = tpu.memref_squeeze %dma_wait3A_46 : memref<1x79x128xi32, #tpu.memory_space<hbm>> -> memref<79x128xi32, #tpu.memory_space<hbm>>
      tpu.wait_dma2 semaphore(%run_scoped3A : memref<!tpu.dma_semaphore, #tpu.memory_space<semaphore_mem>>) src(%dma_wait3A_47 : memref<79x128xi32, #tpu.memory_space<hbm>>) dst(%arg7 : memref<79x128xi32, #tpu.memory_space<vmem>>)
      tpu.yield
    }) : () -> ()
    "tpu.region"() ({
      %run_scoped3A = tpu.sem_alloc : memref<!tpu.dma_semaphore, #tpu.memory_space<semaphore_mem>>
      %dma_start3A = arith.constant 0 : i32
      %dma_start3A_34 = arith.constant 0 : i32
      %dma_start3A_35 = tpu.memref_slice %arg5[%arg1, %dma_start3A, %dma_start3A_34] : memref<16x158x128xi32, #tpu.memory_space<hbm>> -> memref<1x79x128xi32, #tpu.memory_space<hbm>>
      %dma_start3A_36 = tpu.memref_squeeze %dma_start3A_35 : memref<1x79x128xi32, #tpu.memory_space<hbm>> -> memref<79x128xi32, #tpu.memory_space<hbm>>
      %dma_start3A_37 = arith.constant 0 : i32
      %dma_start3A_38 = arith.constant 0 : i32
      %dma_start3A_39 = tpu.memref_slice %arg5[%arg1, %dma_start3A_37, %dma_start3A_38] : memref<16x158x128xi32, #tpu.memory_space<hbm>> -> memref<1x79x128xi32, #tpu.memory_space<hbm>>
      %dma_start3A_40 = tpu.memref_squeeze %dma_start3A_39 : memref<1x79x128xi32, #tpu.memory_space<hbm>> -> memref<79x128xi32, #tpu.memory_space<hbm>>
      tpu.enqueue_dma source(%dma_start3A_40 : memref<79x128xi32, #tpu.memory_space<hbm>>) target(%arg8 : memref<79x128xi32, #tpu.memory_space<vmem>>) target_semaphore(%run_scoped3A : memref<!tpu.dma_semaphore, #tpu.memory_space<semaphore_mem>>)
      %dma_wait3A = arith.constant 0 : i32
      %dma_wait3A_41 = arith.constant 0 : i32
      %dma_wait3A_42 = tpu.memref_slice %arg5[%arg1, %dma_wait3A, %dma_wait3A_41] : memref<16x158x128xi32, #tpu.memory_space<hbm>> -> memref<1x79x128xi32, #tpu.memory_space<hbm>>
      %dma_wait3A_43 = tpu.memref_squeeze %dma_wait3A_42 : memref<1x79x128xi32, #tpu.memory_space<hbm>> -> memref<79x128xi32, #tpu.memory_space<hbm>>
      %dma_wait3A_44 = arith.constant 0 : i32
      %dma_wait3A_45 = arith.constant 0 : i32
      %dma_wait3A_46 = tpu.memref_slice %arg5[%arg1, %dma_wait3A_44, %dma_wait3A_45] : memref<16x158x128xi32, #tpu.memory_space<hbm>> -> memref<1x79x128xi32, #tpu.memory_space<hbm>>
      %dma_wait3A_47 = tpu.memref_squeeze %dma_wait3A_46 : memref<1x79x128xi32, #tpu.memory_space<hbm>> -> memref<79x128xi32, #tpu.memory_space<hbm>>
      tpu.wait_dma2 semaphore(%run_scoped3A : memref<!tpu.dma_semaphore, #tpu.memory_space<semaphore_mem>>) src(%dma_wait3A_47 : memref<79x128xi32, #tpu.memory_space<hbm>>) dst(%arg8 : memref<79x128xi32, #tpu.memory_space<vmem>>)
      tpu.yield
    }) : () -> ()
    %scan3A_21 = arith.constant 0 : i32
    %scan3A_22 = arith.constant 0 : i32
    %scan3A_23 = arith.constant 79 : i32
    %scan3A_24 = arith.addi %scan3A_22, %scan3A_23 : i32
    %scan3A_25 = arith.constant 1 : i32
    scf.for %scan3A_34 = %scan3A_22 to %scan3A_24 step %scan3A_25  : i32 {
      %dma_start3A = arith.constant 0 : i32
      %dma_start3A_35 = tpu.memref_slice %arg7[%scan3A_34, %dma_start3A] : memref<79x128xi32, #tpu.memory_space<vmem>> -> memref<1x128xi32, #tpu.memory_space<vmem>>
      %dma_start3A_36 = tpu.memref_squeeze %dma_start3A_35 : memref<1x128xi32, #tpu.memory_space<vmem>> -> memref<128xi32, #tpu.memory_space<vmem>>
      %dma_start3A_37 = arith.constant 0 : i32
      %dma_start3A_38 = arith.constant 0 : i32
      %dma_start3A_39 = tpu.memref_slice %arg10[%dma_start3A_37, %dma_start3A_38] : memref<10112x64xf32, #tpu.memory_space<vmem_shared>> -> memref<10112x64xf32, #tpu.memory_space<vmem_shared>>
      tpu.enqueue_indirect_dma source(%dma_start3A_39 : memref<10112x64xf32, #tpu.memory_space<vmem_shared>>) target(%arg9 : memref<128x64xf32, #tpu.memory_space<vmem>>) offsets(%dma_start3A_36 : memref<128xi32, #tpu.memory_space<vmem>>) semaphore(%arg12 : memref<!tpu.dma_semaphore, #tpu.memory_space<semaphore_mem>>)
      %dma_wait3A = arith.constant 0 : i32
      %dma_wait3A_40 = tpu.memref_slice %arg7[%scan3A_34, %dma_wait3A] : memref<79x128xi32, #tpu.memory_space<vmem>> -> memref<1x128xi32, #tpu.memory_space<vmem>>
      %dma_wait3A_41 = tpu.memref_squeeze %dma_wait3A_40 : memref<1x128xi32, #tpu.memory_space<vmem>> -> memref<128xi32, #tpu.memory_space<vmem>>
      %dma_wait3A_42 = arith.constant 0 : i32
      %dma_wait3A_43 = arith.constant 0 : i32
      %dma_wait3A_44 = tpu.memref_slice %arg10[%dma_wait3A_42, %dma_wait3A_43] : memref<10112x64xf32, #tpu.memory_space<vmem_shared>> -> memref<10112x64xf32, #tpu.memory_space<vmem_shared>>
      tpu.wait_indirect_dma semaphore(%arg12 : memref<!tpu.dma_semaphore, #tpu.memory_space<semaphore_mem>>) src(%dma_wait3A_44 : memref<10112x64xf32, #tpu.memory_space<vmem_shared>>) dst(%arg9 : memref<128x64xf32, #tpu.memory_space<vmem>>)
      "tpu.region"() ({
        %run_scoped3A = tpu.sem_alloc : memref<!tpu.dma_semaphore, #tpu.memory_space<semaphore_mem>>
        %dma_start3A_45 = arith.constant 0 : i32
        %dma_start3A_46 = tpu.memref_slice %arg8[%scan3A_34, %dma_start3A_45] : memref<79x128xi32, #tpu.memory_space<vmem>> -> memref<1x128xi32, #tpu.memory_space<vmem>>
        %dma_start3A_47 = tpu.memref_squeeze %dma_start3A_46 : memref<1x128xi32, #tpu.memory_space<vmem>> -> memref<128xi32, #tpu.memory_space<vmem>>
        %dma_start3A_48 = arith.constant 0 : i32
        %dma_start3A_49 = arith.constant 0 : i32
        %dma_start3A_50 = tpu.memref_slice %arg11[%dma_start3A_48, %dma_start3A_49] : memref<10112x64xf32, #tpu.memory_space<vmem_shared>> -> memref<10112x64xf32, #tpu.memory_space<vmem_shared>>
        tpu.enqueue_indirect_dma source(%arg9 : memref<128x64xf32, #tpu.memory_space<vmem>>) target(%dma_start3A_50 : memref<10112x64xf32, #tpu.memory_space<vmem_shared>>) offsets(%dma_start3A_47 : memref<128xi32, #tpu.memory_space<vmem>>) semaphore(%run_scoped3A : memref<!tpu.dma_semaphore, #tpu.memory_space<semaphore_mem>>) {add = true}
        %dma_wait3A_51 = arith.constant 0 : i32
        %dma_wait3A_52 = tpu.memref_slice %arg8[%scan3A_34, %dma_wait3A_51] : memref<79x128xi32, #tpu.memory_space<vmem>> -> memref<1x128xi32, #tpu.memory_space<vmem>>
        %dma_wait3A_53 = tpu.memref_squeeze %dma_wait3A_52 : memref<1x128xi32, #tpu.memory_space<vmem>> -> memref<128xi32, #tpu.memory_space<vmem>>
        %dma_wait3A_54 = arith.constant 0 : i32
        %dma_wait3A_55 = arith.constant 0 : i32
        %dma_wait3A_56 = tpu.memref_slice %arg11[%dma_wait3A_54, %dma_wait3A_55] : memref<10112x64xf32, #tpu.memory_space<vmem_shared>> -> memref<10112x64xf32, #tpu.memory_space<vmem_shared>>
        tpu.wait_indirect_dma semaphore(%run_scoped3A : memref<!tpu.dma_semaphore, #tpu.memory_space<semaphore_mem>>) src(%arg9 : memref<128x64xf32, #tpu.memory_space<vmem>>) dst(%dma_wait3A_56 : memref<10112x64xf32, #tpu.memory_space<vmem_shared>>)
        tpu.yield
      }) : () -> ()
    }
    %scan3A_26 = arith.constant 79 : i32
    "tpu.region"() ({
      %run_scoped3A = tpu.sem_alloc : memref<!tpu.dma_semaphore, #tpu.memory_space<semaphore_mem>>
      %dma_start3A = arith.constant 79 : i32
      %dma_start3A_34 = arith.constant 0 : i32
      %dma_start3A_35 = tpu.memref_slice %arg4[%arg1, %dma_start3A, %dma_start3A_34] : memref<16x158x128xi32, #tpu.memory_space<hbm>> -> memref<1x79x128xi32, #tpu.memory_space<hbm>>
      %dma_start3A_36 = tpu.memref_squeeze %dma_start3A_35 : memref<1x79x128xi32, #tpu.memory_space<hbm>> -> memref<79x128xi32, #tpu.memory_space<hbm>>
      %dma_start3A_37 = arith.constant 79 : i32
      %dma_start3A_38 = arith.constant 0 : i32
      %dma_start3A_39 = tpu.memref_slice %arg4[%arg1, %dma_start3A_37, %dma_start3A_38] : memref<16x158x128xi32, #tpu.memory_space<hbm>> -> memref<1x79x128xi32, #tpu.memory_space<hbm>>
      %dma_start3A_40 = tpu.memref_squeeze %dma_start3A_39 : memref<1x79x128xi32, #tpu.memory_space<hbm>> -> memref<79x128xi32, #tpu.memory_space<hbm>>
      tpu.enqueue_dma source(%dma_start3A_40 : memref<79x128xi32, #tpu.memory_space<hbm>>) target(%arg7 : memref<79x128xi32, #tpu.memory_space<vmem>>) target_semaphore(%run_scoped3A : memref<!tpu.dma_semaphore, #tpu.memory_space<semaphore_mem>>)
      %dma_wait3A = arith.constant 79 : i32
      %dma_wait3A_41 = arith.constant 0 : i32
      %dma_wait3A_42 = tpu.memref_slice %arg4[%arg1, %dma_wait3A, %dma_wait3A_41] : memref<16x158x128xi32, #tpu.memory_space<hbm>> -> memref<1x79x128xi32, #tpu.memory_space<hbm>>
      %dma_wait3A_43 = tpu.memref_squeeze %dma_wait3A_42 : memref<1x79x128xi32, #tpu.memory_space<hbm>> -> memref<79x128xi32, #tpu.memory_space<hbm>>
      %dma_wait3A_44 = arith.constant 79 : i32
      %dma_wait3A_45 = arith.constant 0 : i32
      %dma_wait3A_46 = tpu.memref_slice %arg4[%arg1, %dma_wait3A_44, %dma_wait3A_45] : memref<16x158x128xi32, #tpu.memory_space<hbm>> -> memref<1x79x128xi32, #tpu.memory_space<hbm>>
      %dma_wait3A_47 = tpu.memref_squeeze %dma_wait3A_46 : memref<1x79x128xi32, #tpu.memory_space<hbm>> -> memref<79x128xi32, #tpu.memory_space<hbm>>
      tpu.wait_dma2 semaphore(%run_scoped3A : memref<!tpu.dma_semaphore, #tpu.memory_space<semaphore_mem>>) src(%dma_wait3A_47 : memref<79x128xi32, #tpu.memory_space<hbm>>) dst(%arg7 : memref<79x128xi32, #tpu.memory_space<vmem>>)
      tpu.yield
    }) : () -> ()
    "tpu.region"() ({
      %run_scoped3A = tpu.sem_alloc : memref<!tpu.dma_semaphore, #tpu.memory_space<semaphore_mem>>
      %dma_start3A = arith.constant 79 : i32
      %dma_start3A_34 = arith.constant 0 : i32
      %dma_start3A_35 = tpu.memref_slice %arg5[%arg1, %dma_start3A, %dma_start3A_34] : memref<16x158x128xi32, #tpu.memory_space<hbm>> -> memref<1x79x128xi32, #tpu.memory_space<hbm>>
      %dma_start3A_36 = tpu.memref_squeeze %dma_start3A_35 : memref<1x79x128xi32, #tpu.memory_space<hbm>> -> memref<79x128xi32, #tpu.memory_space<hbm>>
      %dma_start3A_37 = arith.constant 79 : i32
      %dma_start3A_38 = arith.constant 0 : i32
      %dma_start3A_39 = tpu.memref_slice %arg5[%arg1, %dma_start3A_37, %dma_start3A_38] : memref<16x158x128xi32, #tpu.memory_space<hbm>> -> memref<1x79x128xi32, #tpu.memory_space<hbm>>
      %dma_start3A_40 = tpu.memref_squeeze %dma_start3A_39 : memref<1x79x128xi32, #tpu.memory_space<hbm>> -> memref<79x128xi32, #tpu.memory_space<hbm>>
      tpu.enqueue_dma source(%dma_start3A_40 : memref<79x128xi32, #tpu.memory_space<hbm>>) target(%arg8 : memref<79x128xi32, #tpu.memory_space<vmem>>) target_semaphore(%run_scoped3A : memref<!tpu.dma_semaphore, #tpu.memory_space<semaphore_mem>>)
      %dma_wait3A = arith.constant 79 : i32
      %dma_wait3A_41 = arith.constant 0 : i32
      %dma_wait3A_42 = tpu.memref_slice %arg5[%arg1, %dma_wait3A, %dma_wait3A_41] : memref<16x158x128xi32, #tpu.memory_space<hbm>> -> memref<1x79x128xi32, #tpu.memory_space<hbm>>
      %dma_wait3A_43 = tpu.memref_squeeze %dma_wait3A_42 : memref<1x79x128xi32, #tpu.memory_space<hbm>> -> memref<79x128xi32, #tpu.memory_space<hbm>>
      %dma_wait3A_44 = arith.constant 79 : i32
      %dma_wait3A_45 = arith.constant 0 : i32
      %dma_wait3A_46 = tpu.memref_slice %arg5[%arg1, %dma_wait3A_44, %dma_wait3A_45] : memref<16x158x128xi32, #tpu.memory_space<hbm>> -> memref<1x79x128xi32, #tpu.memory_space<hbm>>
      %dma_wait3A_47 = tpu.memref_squeeze %dma_wait3A_46 : memref<1x79x128xi32, #tpu.memory_space<hbm>> -> memref<79x128xi32, #tpu.memory_space<hbm>>
      tpu.wait_dma2 semaphore(%run_scoped3A : memref<!tpu.dma_semaphore, #tpu.memory_space<semaphore_mem>>) src(%dma_wait3A_47 : memref<79x128xi32, #tpu.memory_space<hbm>>) dst(%arg8 : memref<79x128xi32, #tpu.memory_space<vmem>>)
      tpu.yield
    }) : () -> ()
    %scan3A_27 = arith.constant 0 : i32
    %scan3A_28 = arith.constant 0 : i32
    %scan3A_29 = arith.constant 79 : i32
    %scan3A_30 = arith.addi %scan3A_28, %scan3A_29 : i32
    %scan3A_31 = arith.constant 1 : i32
    scf.for %scan3A_34 = %scan3A_28 to %scan3A_30 step %scan3A_31  : i32 {
      %dma_start3A = arith.constant 0 : i32
      %dma_start3A_35 = tpu.memref_slice %arg7[%scan3A_34, %dma_start3A] : memref<79x128xi32, #tpu.memory_space<vmem>> -> memref<1x128xi32, #tpu.memory_space<vmem>>
      %dma_start3A_36 = tpu.memref_squeeze %dma_start3A_35 : memref<1x128xi32, #tpu.memory_space<vmem>> -> memref<128xi32, #tpu.memory_space<vmem>>
      %dma_start3A_37 = arith.constant 0 : i32
      %dma_start3A_38 = arith.constant 0 : i32
      %dma_start3A_39 = tpu.memref_slice %arg10[%dma_start3A_37, %dma_start3A_38] : memref<10112x64xf32, #tpu.memory_space<vmem_shared>> -> memref<10112x64xf32, #tpu.memory_space<vmem_shared>>
      tpu.enqueue_indirect_dma source(%dma_start3A_39 : memref<10112x64xf32, #tpu.memory_space<vmem_shared>>) target(%arg9 : memref<128x64xf32, #tpu.memory_space<vmem>>) offsets(%dma_start3A_36 : memref<128xi32, #tpu.memory_space<vmem>>) semaphore(%arg12 : memref<!tpu.dma_semaphore, #tpu.memory_space<semaphore_mem>>)
      %dma_wait3A = arith.constant 0 : i32
      %dma_wait3A_40 = tpu.memref_slice %arg7[%scan3A_34, %dma_wait3A] : memref<79x128xi32, #tpu.memory_space<vmem>> -> memref<1x128xi32, #tpu.memory_space<vmem>>
      %dma_wait3A_41 = tpu.memref_squeeze %dma_wait3A_40 : memref<1x128xi32, #tpu.memory_space<vmem>> -> memref<128xi32, #tpu.memory_space<vmem>>
      %dma_wait3A_42 = arith.constant 0 : i32
      %dma_wait3A_43 = arith.constant 0 : i32
      %dma_wait3A_44 = tpu.memref_slice %arg10[%dma_wait3A_42, %dma_wait3A_43] : memref<10112x64xf32, #tpu.memory_space<vmem_shared>> -> memref<10112x64xf32, #tpu.memory_space<vmem_shared>>
      tpu.wait_indirect_dma semaphore(%arg12 : memref<!tpu.dma_semaphore, #tpu.memory_space<semaphore_mem>>) src(%dma_wait3A_44 : memref<10112x64xf32, #tpu.memory_space<vmem_shared>>) dst(%arg9 : memref<128x64xf32, #tpu.memory_space<vmem>>)
      "tpu.region"() ({
        %run_scoped3A = tpu.sem_alloc : memref<!tpu.dma_semaphore, #tpu.memory_space<semaphore_mem>>
        %dma_start3A_45 = arith.constant 0 : i32
        %dma_start3A_46 = tpu.memref_slice %arg8[%scan3A_34, %dma_start3A_45] : memref<79x128xi32, #tpu.memory_space<vmem>> -> memref<1x128xi32, #tpu.memory_space<vmem>>
        %dma_start3A_47 = tpu.memref_squeeze %dma_start3A_46 : memref<1x128xi32, #tpu.memory_space<vmem>> -> memref<128xi32, #tpu.memory_space<vmem>>
        %dma_start3A_48 = arith.constant 0 : i32
        %dma_start3A_49 = arith.constant 0 : i32
        %dma_start3A_50 = tpu.memref_slice %arg11[%dma_start3A_48, %dma_start3A_49] : memref<10112x64xf32, #tpu.memory_space<vmem_shared>> -> memref<10112x64xf32, #tpu.memory_space<vmem_shared>>
        tpu.enqueue_indirect_dma source(%arg9 : memref<128x64xf32, #tpu.memory_space<vmem>>) target(%dma_start3A_50 : memref<10112x64xf32, #tpu.memory_space<vmem_shared>>) offsets(%dma_start3A_47 : memref<128xi32, #tpu.memory_space<vmem>>) semaphore(%run_scoped3A : memref<!tpu.dma_semaphore, #tpu.memory_space<semaphore_mem>>) {add = true}
        %dma_wait3A_51 = arith.constant 0 : i32
        %dma_wait3A_52 = tpu.memref_slice %arg8[%scan3A_34, %dma_wait3A_51] : memref<79x128xi32, #tpu.memory_space<vmem>> -> memref<1x128xi32, #tpu.memory_space<vmem>>
        %dma_wait3A_53 = tpu.memref_squeeze %dma_wait3A_52 : memref<1x128xi32, #tpu.memory_space<vmem>> -> memref<128xi32, #tpu.memory_space<vmem>>
        %dma_wait3A_54 = arith.constant 0 : i32
        %dma_wait3A_55 = arith.constant 0 : i32
        %dma_wait3A_56 = tpu.memref_slice %arg11[%dma_wait3A_54, %dma_wait3A_55] : memref<10112x64xf32, #tpu.memory_space<vmem_shared>> -> memref<10112x64xf32, #tpu.memory_space<vmem_shared>>
        tpu.wait_indirect_dma semaphore(%run_scoped3A : memref<!tpu.dma_semaphore, #tpu.memory_space<semaphore_mem>>) src(%arg9 : memref<128x64xf32, #tpu.memory_space<vmem>>) dst(%dma_wait3A_56 : memref<10112x64xf32, #tpu.memory_space<vmem_shared>>)
        tpu.yield
      }) : () -> ()
    }
    %scan3A_32 = arith.constant 79 : i32
    %barrier3A_33 = arith.constant 0 : index
    tpu.barrier barrier_id(%barrier3A_33)
    "tpu.region"() ({
      %run_scoped3A = tpu.sem_alloc : memref<!tpu.dma_semaphore, #tpu.memory_space<semaphore_mem>>
      %dma_start3A = arith.constant 0 : i32
      %dma_start3A_34 = tpu.memref_slice %arg6[%arg0, %mul3A_0, %dma_start3A] : memref<2x10112x64xf32, #tpu.memory_space<hbm>> -> memref<1x632x64xf32, #tpu.memory_space<hbm>>
      %dma_start3A_35 = tpu.memref_squeeze %dma_start3A_34 : memref<1x632x64xf32, #tpu.memory_space<hbm>> -> memref<632x64xf32, #tpu.memory_space<hbm>>
      %dma_start3A_36 = arith.constant 0 : i32
      %dma_start3A_37 = tpu.memref_slice %arg11[%mul3A_0, %dma_start3A_36] : memref<10112x64xf32, #tpu.memory_space<vmem_shared>> -> memref<632x64xf32, #tpu.memory_space<vmem_shared>>
      tpu.enqueue_dma source(%dma_start3A_37 : memref<632x64xf32, #tpu.memory_space<vmem_shared>>) target(%dma_start3A_35 : memref<632x64xf32, #tpu.memory_space<hbm>>) target_semaphore(%run_scoped3A : memref<!tpu.dma_semaphore, #tpu.memory_space<semaphore_mem>>)
      %dma_wait3A = arith.constant 0 : i32
      %dma_wait3A_38 = tpu.memref_slice %arg6[%arg0, %mul3A_0, %dma_wait3A] : memref<2x10112x64xf32, #tpu.memory_space<hbm>> -> memref<1x632x64xf32, #tpu.memory_space<hbm>>
      %dma_wait3A_39 = tpu.memref_squeeze %dma_wait3A_38 : memref<1x632x64xf32, #tpu.memory_space<hbm>> -> memref<632x64xf32, #tpu.memory_space<hbm>>
      %dma_wait3A_40 = arith.constant 0 : i32
      %dma_wait3A_41 = tpu.memref_slice %arg11[%mul3A_0, %dma_wait3A_40] : memref<10112x64xf32, #tpu.memory_space<vmem_shared>> -> memref<632x64xf32, #tpu.memory_space<vmem_shared>>
      tpu.wait_dma2 semaphore(%run_scoped3A : memref<!tpu.dma_semaphore, #tpu.memory_space<semaphore_mem>>) src(%dma_wait3A_41 : memref<632x64xf32, #tpu.memory_space<vmem_shared>>) dst(%dma_wait3A_39 : memref<632x64xf32, #tpu.memory_space<hbm>>)
      tpu.yield
    }) : () -> ()
    return
  }
}

module attributes {stable_mosaic.version = 14 : i64} {
  func.func @body(%arg0: i32, %arg1: memref<1264x128xf32, #tpu.memory_space<vmem>>, %arg2: memref<128x64xf32, #tpu.memory_space<vmem>>, %arg3: memref<128x64xf32, #tpu.memory_space<vmem>>, %arg4: memref<1264x64xf32, #tpu.memory_space<vmem>>, %arg5: memref<1264x64xf32, #tpu.memory_space<vmem>>) attributes {dimension_semantics = [#tpu.dimension_semantics<arbitrary>], iteration_bounds = array<i64: 8>, scalar_prefetch = 0 : i64, scratch_operands = 0 : i64, tpu.core_type = #tpu.core_type<tc>, window_params = [{transform_indices = @transform_0, window_bounds = array<i64: 1264, 128>}, {pipeline_mode = #tpu.pipeline_mode<synchronous>, transform_indices = @transform_1, window_bounds = array<i64: 128, 64>}, {pipeline_mode = #tpu.pipeline_mode<synchronous>, transform_indices = @transform_2, window_bounds = array<i64: 128, 64>}, {transform_indices = @transform_3, window_bounds = array<i64: 1264, 64>}, {transform_indices = @transform_4, window_bounds = array<i64: 1264, 64>}]} {
    %get3A = arith.constant 0 : index
    %get3A_0 = arith.constant 0 : index
    %get3A_1 = vector.load %arg1[%get3A, %get3A_0] : memref<1264x128xf32, #tpu.memory_space<vmem>>, vector<1264x128xf32>
    %get3A_2 = arith.constant 0 : index
    %get3A_3 = arith.constant 0 : index
    %get3A_4 = vector.load %arg2[%get3A_2, %get3A_3] : memref<128x64xf32, #tpu.memory_space<vmem>>, vector<128x64xf32>
    %dot_general3A = arith.constant dense<0.000000e+00> : vector<1264x64xf32>
    %dot_general3A_5 = tpu.matmul %get3A_1, %get3A_4, %dot_general3A {dimension_numbers = #tpu.dot_dimension_numbers<[1], [0], [0], [1], [0, 0, 1, 1], [], []>, transpose_lhs_hint = false} : vector<1264x128xf32>, vector<128x64xf32>, vector<1264x64xf32> -> vector<1264x64xf32>
    %swap3A = arith.constant 0 : index
    %swap3A_6 = arith.constant 0 : index
    %swap3A_7 = vector.load %arg4[%swap3A, %swap3A_6] : memref<1264x64xf32, #tpu.memory_space<vmem>>, vector<1264x64xf32>
    tpu.vector_store %arg4[%swap3A, %swap3A_6], %dot_general3A_5 {strides = array<i32>} : memref<1264x64xf32, #tpu.memory_space<vmem>>, vector<1264x64xf32>,
    %get3A_8 = arith.constant 0 : index
    %get3A_9 = arith.constant 0 : index
    %get3A_10 = vector.load %arg3[%get3A_8, %get3A_9] : memref<128x64xf32, #tpu.memory_space<vmem>>, vector<128x64xf32>
    %dot_general3A_11 = arith.constant dense<0.000000e+00> : vector<1264x64xf32>
    %dot_general3A_12 = tpu.matmul %get3A_1, %get3A_10, %dot_general3A_11 {dimension_numbers = #tpu.dot_dimension_numbers<[1], [0], [0], [1], [0, 0, 1, 1], [], []>, transpose_lhs_hint = false} : vector<1264x128xf32>, vector<128x64xf32>, vector<1264x64xf32> -> vector<1264x64xf32>
    %swap3A_13 = arith.constant 0 : index
    %swap3A_14 = arith.constant 0 : index
    %swap3A_15 = vector.load %arg5[%swap3A_13, %swap3A_14] : memref<1264x64xf32, #tpu.memory_space<vmem>>, vector<1264x64xf32>
    tpu.vector_store %arg5[%swap3A_13, %swap3A_14], %dot_general3A_12 {strides = array<i32>} : memref<1264x64xf32, #tpu.memory_space<vmem>>, vector<1264x64xf32>,
    return
  }
  func.func @transform_0(%arg0: i32) -> (i32, i32) {
    %c0_i32 = arith.constant 0 : i32
    %c0_i32_0 = arith.constant 0 : i32
    return %arg0, %c0_i32 : i32, i32
  }
  func.func @transform_1(%arg0: i32) -> (i32, i32) {
    %c0_i32 = arith.constant 0 : i32
    %c0_i32_0 = arith.constant 0 : i32
    %c0_i32_1 = arith.constant 0 : i32
    return %c0_i32, %c0_i32_0 : i32, i32
  }
  func.func @transform_2(%arg0: i32) -> (i32, i32) {
    %c0_i32 = arith.constant 0 : i32
    %c0_i32_0 = arith.constant 0 : i32
    %c0_i32_1 = arith.constant 0 : i32
    return %c0_i32, %c0_i32_0 : i32, i32
  }
  func.func @transform_3(%arg0: i32) -> (i32, i32) {
    %c0_i32 = arith.constant 0 : i32
    %c0_i32_0 = arith.constant 0 : i32
    return %arg0, %c0_i32 : i32, i32
  }
  func.func @transform_4(%arg0: i32) -> (i32, i32) {
    %c0_i32 = arith.constant 0 : i32
    %c0_i32_0 = arith.constant 0 : i32
    return %arg0, %c0_i32 : i32, i32
  }
}

module attributes {stable_mosaic.version = 14 : i64} {
  func.func @body(%arg0: memref<32x10112xf32, #tpu.memory_space<vmem>>, %arg1: memref<32x10112xf32, #tpu.memory_space<vmem>>, %arg2: memref<10112x64xf32, #tpu.memory_space<vmem>>, %arg3: memref<10112x64xf32, #tpu.memory_space<vmem>>, %arg4: memref<10112x1xf32, #tpu.memory_space<vmem>>, %arg5: memref<10112x1xf32, #tpu.memory_space<vmem>>, %arg6: memref<10112x64xf32, #tpu.memory_space<vmem>>, %arg7: memref<10112x64xf32, #tpu.memory_space<vmem>>) attributes {dimension_semantics = [], scalar_prefetch = 0 : i64, scratch_operands = 0 : i64, tpu.core_type = #tpu.core_type<tc>} {
    %broadcast_in_dim3A = arith.constant 1.000000e+00 : f32
    %broadcast_in_dim3A_0 = vector.broadcast %broadcast_in_dim3A : f32 to vector<32x1xf32>
    %get3A = arith.constant 0 : index
    %get3A_1 = arith.constant 0 : index
    %get3A_2 = vector.load %arg0[%get3A, %get3A_1] : memref<32x10112xf32, #tpu.memory_space<vmem>>, vector<32x10112xf32>
    %dot_general3A = arith.constant dense<0.000000e+00> : vector<10112x1xf32>
    %dot_general3A_3 = tpu.matmul %get3A_2, %broadcast_in_dim3A_0, %dot_general3A {dimension_numbers = #tpu.dot_dimension_numbers<[0], [0], [1], [1], [0, 1, 1, 1], [], []>, transpose_lhs_hint = false} : vector<32x10112xf32>, vector<32x1xf32>, vector<10112x1xf32> -> vector<10112x1xf32>
    %get3A_4 = arith.constant 0 : index
    %get3A_5 = arith.constant 0 : index
    %get3A_6 = vector.load %arg1[%get3A_4, %get3A_5] : memref<32x10112xf32, #tpu.memory_space<vmem>>, vector<32x10112xf32>
    %dot_general3A_7 = arith.constant dense<0.000000e+00> : vector<10112x1xf32>
    %dot_general3A_8 = tpu.matmul %get3A_6, %broadcast_in_dim3A_0, %dot_general3A_7 {dimension_numbers = #tpu.dot_dimension_numbers<[0], [0], [1], [1], [0, 1, 1, 1], [], []>, transpose_lhs_hint = false} : vector<32x10112xf32>, vector<32x1xf32>, vector<10112x1xf32> -> vector<10112x1xf32>
    %max3A = arith.constant 1.000000e+00 : f32
    %max3A_9 = vector.broadcast %max3A : f32 to vector<10112x1xf32>
    %max3A_10 = arith.maximumf %dot_general3A_3, %max3A_9 : vector<10112x1xf32>
    %rsqrt3A = math.rsqrt %max3A_10 : vector<10112x1xf32>
    %swap3A = arith.constant 0 : index
    %swap3A_11 = arith.constant 0 : index
    %swap3A_12 = vector.load %arg4[%swap3A, %swap3A_11] : memref<10112x1xf32, #tpu.memory_space<vmem>>, vector<10112x1xf32>
    tpu.vector_store %arg4[%swap3A, %swap3A_11], %rsqrt3A {strides = array<i32>} : memref<10112x1xf32, #tpu.memory_space<vmem>>, vector<10112x1xf32>,
    %max3A_13 = arith.constant 1.000000e+00 : f32
    %max3A_14 = vector.broadcast %max3A_13 : f32 to vector<10112x1xf32>
    %max3A_15 = arith.maximumf %dot_general3A_8, %max3A_14 : vector<10112x1xf32>
    %rsqrt3A_16 = math.rsqrt %max3A_15 : vector<10112x1xf32>
    %swap3A_17 = arith.constant 0 : index
    %swap3A_18 = arith.constant 0 : index
    %swap3A_19 = vector.load %arg5[%swap3A_17, %swap3A_18] : memref<10112x1xf32, #tpu.memory_space<vmem>>, vector<10112x1xf32>
    tpu.vector_store %arg5[%swap3A_17, %swap3A_18], %rsqrt3A_16 {strides = array<i32>} : memref<10112x1xf32, #tpu.memory_space<vmem>>, vector<10112x1xf32>,
    %get3A_20 = arith.constant 0 : index
    %get3A_21 = arith.constant 0 : index
    %get3A_22 = vector.load %arg2[%get3A_20, %get3A_21] : memref<10112x64xf32, #tpu.memory_space<vmem>>, vector<10112x64xf32>
    %mul3A = vector.broadcast %rsqrt3A : vector<10112x1xf32> to vector<10112x64xf32>
    %mul3A_23 = arith.mulf %get3A_22, %mul3A : vector<10112x64xf32>
    %swap3A_24 = arith.constant 0 : index
    %swap3A_25 = arith.constant 0 : index
    %swap3A_26 = vector.load %arg6[%swap3A_24, %swap3A_25] : memref<10112x64xf32, #tpu.memory_space<vmem>>, vector<10112x64xf32>
    tpu.vector_store %arg6[%swap3A_24, %swap3A_25], %mul3A_23 {strides = array<i32>} : memref<10112x64xf32, #tpu.memory_space<vmem>>, vector<10112x64xf32>,
    %get3A_27 = arith.constant 0 : index
    %get3A_28 = arith.constant 0 : index
    %get3A_29 = vector.load %arg3[%get3A_27, %get3A_28] : memref<10112x64xf32, #tpu.memory_space<vmem>>, vector<10112x64xf32>
    %mul3A_30 = vector.broadcast %rsqrt3A : vector<10112x1xf32> to vector<10112x64xf32>
    %mul3A_31 = arith.mulf %get3A_29, %mul3A_30 : vector<10112x64xf32>
    %swap3A_32 = arith.constant 0 : index
    %swap3A_33 = arith.constant 0 : index
    %swap3A_34 = vector.load %arg7[%swap3A_32, %swap3A_33] : memref<10112x64xf32, #tpu.memory_space<vmem>>, vector<10112x64xf32>
    tpu.vector_store %arg7[%swap3A_32, %swap3A_33], %mul3A_31 {strides = array<i32>} : memref<10112x64xf32, #tpu.memory_space<vmem>>, vector<10112x64xf32>,
    return
  }
}

module attributes {stable_mosaic.version = 14 : i64} {
  func.func @body(%arg0: i32, %arg1: memref<2x1264x64xf32, #tpu.memory_space<vmem>>, %arg2: memref<1264x1xf32, #tpu.memory_space<vmem>>, %arg3: memref<1x128xf32, #tpu.memory_space<vmem>>, %arg4: memref<1264x1xf32, #tpu.memory_space<vmem>>, %arg5: memref<128x40xf32, #tpu.memory_space<vmem>>, %arg6: memref<1264x40xf32, #tpu.memory_space<vmem>>) attributes {dimension_semantics = [#tpu.dimension_semantics<arbitrary>], iteration_bounds = array<i64: 8>, scalar_prefetch = 0 : i64, scratch_operands = 0 : i64, tpu.core_type = #tpu.core_type<tc>, window_params = [{transform_indices = @transform_0, window_bounds = array<i64: 2, 1264, 64>}, {transform_indices = @transform_1, window_bounds = array<i64: 1264, 1>}, {pipeline_mode = #tpu.pipeline_mode<synchronous>, transform_indices = @transform_2, window_bounds = array<i64: 1, 128>}, {transform_indices = @transform_3, window_bounds = array<i64: 1264, 1>}, {pipeline_mode = #tpu.pipeline_mode<synchronous>, transform_indices = @transform_4, window_bounds = array<i64: 128, 40>}, {transform_indices = @transform_5, window_bounds = array<i64: 1264, 40>}]} {
    %get3A = arith.constant 0 : index
    %get3A_0 = arith.constant 0 : index
    %get3A_1 = arith.constant 0 : index
    %get3A_2 = vector.load %arg1[%get3A, %get3A_0, %get3A_1] : memref<2x1264x64xf32, #tpu.memory_space<vmem>>, vector<1x1264x64xf32>
    %get3A_3 = vector.shape_cast %get3A_2 : vector<1x1264x64xf32> to vector<1264x64xf32>
    %get3A_4 = arith.constant 1 : index
    %get3A_5 = arith.constant 0 : index
    %get3A_6 = arith.constant 0 : index
    %get3A_7 = vector.load %arg1[%get3A_4, %get3A_5, %get3A_6] : memref<2x1264x64xf32, #tpu.memory_space<vmem>>, vector<1x1264x64xf32>
    %get3A_8 = vector.shape_cast %get3A_7 : vector<1x1264x64xf32> to vector<1264x64xf32>
    %concatenate3A = tpu.concatenate %get3A_3, %get3A_8 in 1 : vector<1264x64xf32>, vector<1264x64xf32> -> vector<1264x128xf32>
    %get3A_9 = arith.constant 0 : index
    %get3A_10 = arith.constant 0 : index
    %get3A_11 = vector.load %arg2[%get3A_9, %get3A_10] : memref<1264x1xf32, #tpu.memory_space<vmem>>, vector<1264x1xf32>
    %mul3A = vector.broadcast %get3A_11 : vector<1264x1xf32> to vector<1264x128xf32>
    %mul3A_12 = arith.mulf %concatenate3A, %mul3A : vector<1264x128xf32>
    %get3A_13 = arith.constant 0 : index
    %get3A_14 = arith.constant 0 : index
    %get3A_15 = vector.load %arg3[%get3A_13, %get3A_14] : memref<1x128xf32, #tpu.memory_space<vmem>>, vector<1x128xf32>
    %add3A = vector.broadcast %get3A_15 : vector<1x128xf32> to vector<1264x128xf32>
    %add3A_16 = arith.addf %mul3A_12, %add3A : vector<1264x128xf32>
    %max3A = arith.constant 0.000000e+00 : f32
    %max3A_17 = vector.broadcast %max3A : f32 to vector<1264x128xf32>
    %max3A_18 = arith.maximumf %add3A_16, %max3A_17 : vector<1264x128xf32>
    %get3A_19 = arith.constant 0 : index
    %get3A_20 = arith.constant 0 : index
    %get3A_21 = vector.load %arg4[%get3A_19, %get3A_20] : memref<1264x1xf32, #tpu.memory_space<vmem>>, vector<1264x1xf32>
    %mul3A_22 = vector.broadcast %get3A_21 : vector<1264x1xf32> to vector<1264x128xf32>
    %mul3A_23 = arith.mulf %max3A_18, %mul3A_22 : vector<1264x128xf32>
    %get3A_24 = arith.constant 0 : index
    %get3A_25 = arith.constant 0 : index
    %get3A_26 = vector.load %arg5[%get3A_24, %get3A_25] : memref<128x40xf32, #tpu.memory_space<vmem>>, vector<128x40xf32>
    %dot_general3A = arith.constant dense<0.000000e+00> : vector<1264x40xf32>
    %dot_general3A_27 = tpu.matmul %mul3A_23, %get3A_26, %dot_general3A {dimension_numbers = #tpu.dot_dimension_numbers<[1], [0], [0], [1], [0, 0, 1, 1], [], []>, transpose_lhs_hint = false} : vector<1264x128xf32>, vector<128x40xf32>, vector<1264x40xf32> -> vector<1264x40xf32>
    %swap3A = arith.constant 0 : index
    %swap3A_28 = arith.constant 0 : index
    %swap3A_29 = vector.load %arg6[%swap3A, %swap3A_28] : memref<1264x40xf32, #tpu.memory_space<vmem>>, vector<1264x40xf32>
    tpu.vector_store %arg6[%swap3A, %swap3A_28], %dot_general3A_27 {strides = array<i32>} : memref<1264x40xf32, #tpu.memory_space<vmem>>, vector<1264x40xf32>,
    return
  }
  func.func @transform_0(%arg0: i32) -> (i32, i32, i32) {
    %c0_i32 = arith.constant 0 : i32
    %c0_i32_0 = arith.constant 0 : i32
    %c0_i32_1 = arith.constant 0 : i32
    return %c0_i32, %arg0, %c0_i32_0 : i32, i32, i32
  }
  func.func @transform_1(%arg0: i32) -> (i32, i32) {
    %c0_i32 = arith.constant 0 : i32
    %c0_i32_0 = arith.constant 0 : i32
    return %arg0, %c0_i32 : i32, i32
  }
  func.func @transform_2(%arg0: i32) -> (i32, i32) {
    %c0_i32 = arith.constant 0 : i32
    %c0_i32_0 = arith.constant 0 : i32
    %c0_i32_1 = arith.constant 0 : i32
    return %c0_i32, %c0_i32_0 : i32, i32
  }
  func.func @transform_3(%arg0: i32) -> (i32, i32) {
    %c0_i32 = arith.constant 0 : i32
    %c0_i32_0 = arith.constant 0 : i32
    return %arg0, %c0_i32 : i32, i32
  }
  func.func @transform_4(%arg0: i32) -> (i32, i32) {
    %c0_i32 = arith.constant 0 : i32
    %c0_i32_0 = arith.constant 0 : i32
    %c0_i32_1 = arith.constant 0 : i32
    return %c0_i32, %c0_i32_0 : i32, i32
  }
  func.func @transform_5(%arg0: i32) -> (i32, i32) {
    %c0_i32 = arith.constant 0 : i32
    %c0_i32_0 = arith.constant 0 : i32
    return %arg0, %c0_i32 : i32, i32
  }
}

module attributes {stable_mosaic.version = 14 : i64} {
  func.func @body(%arg0: i32, %arg1: memref<2x2000x40xf32, #tpu.memory_space<vmem>>, %arg2: memref<2000x1xf32, #tpu.memory_space<vmem>>, %arg3: memref<1x40xf32, #tpu.memory_space<vmem>>, %arg4: memref<2000x40xf32, #tpu.memory_space<vmem>>) attributes {dimension_semantics = [#tpu.dimension_semantics<arbitrary>], iteration_bounds = array<i64: 5>, scalar_prefetch = 0 : i64, scratch_operands = 0 : i64, tpu.core_type = #tpu.core_type<tc>, window_params = [{transform_indices = @transform_0, window_bounds = array<i64: 2, 2000, 40>}, {transform_indices = @transform_1, window_bounds = array<i64: 2000, 1>}, {pipeline_mode = #tpu.pipeline_mode<synchronous>, transform_indices = @transform_2, window_bounds = array<i64: 1, 40>}, {transform_indices = @transform_3, window_bounds = array<i64: 2000, 40>}]} {
    %get3A = arith.constant 0 : index
    %get3A_0 = arith.constant 0 : index
    %get3A_1 = arith.constant 0 : index
    %get3A_2 = vector.load %arg1[%get3A, %get3A_0, %get3A_1] : memref<2x2000x40xf32, #tpu.memory_space<vmem>>, vector<1x2000x40xf32>
    %get3A_3 = vector.shape_cast %get3A_2 : vector<1x2000x40xf32> to vector<2000x40xf32>
    %get3A_4 = arith.constant 1 : index
    %get3A_5 = arith.constant 0 : index
    %get3A_6 = arith.constant 0 : index
    %get3A_7 = vector.load %arg1[%get3A_4, %get3A_5, %get3A_6] : memref<2x2000x40xf32, #tpu.memory_space<vmem>>, vector<1x2000x40xf32>
    %get3A_8 = vector.shape_cast %get3A_7 : vector<1x2000x40xf32> to vector<2000x40xf32>
    %add3A = arith.addf %get3A_3, %get3A_8 : vector<2000x40xf32>
    %get3A_9 = arith.constant 0 : index
    %get3A_10 = arith.constant 0 : index
    %get3A_11 = vector.load %arg2[%get3A_9, %get3A_10] : memref<2000x1xf32, #tpu.memory_space<vmem>>, vector<2000x1xf32>
    %mul3A = vector.broadcast %get3A_11 : vector<2000x1xf32> to vector<2000x40xf32>
    %mul3A_12 = arith.mulf %add3A, %mul3A : vector<2000x40xf32>
    %get3A_13 = arith.constant 0 : index
    %get3A_14 = arith.constant 0 : index
    %get3A_15 = vector.load %arg3[%get3A_13, %get3A_14] : memref<1x40xf32, #tpu.memory_space<vmem>>, vector<1x40xf32>
    %add3A_16 = vector.broadcast %get3A_15 : vector<1x40xf32> to vector<2000x40xf32>
    %add3A_17 = arith.addf %mul3A_12, %add3A_16 : vector<2000x40xf32>
    %swap3A = arith.constant 0 : index
    %swap3A_18 = arith.constant 0 : index
    %swap3A_19 = vector.load %arg4[%swap3A, %swap3A_18] : memref<2000x40xf32, #tpu.memory_space<vmem>>, vector<2000x40xf32>
    tpu.vector_store %arg4[%swap3A, %swap3A_18], %add3A_17 {strides = array<i32>} : memref<2000x40xf32, #tpu.memory_space<vmem>>, vector<2000x40xf32>,
    return
  }
  func.func @transform_0(%arg0: i32) -> (i32, i32, i32) {
    %c0_i32 = arith.constant 0 : i32
    %c0_i32_0 = arith.constant 0 : i32
    %c0_i32_1 = arith.constant 0 : i32
    return %c0_i32, %arg0, %c0_i32_0 : i32, i32, i32
  }
  func.func @transform_1(%arg0: i32) -> (i32, i32) {
    %c0_i32 = arith.constant 0 : i32
    %c0_i32_0 = arith.constant 0 : i32
    return %arg0, %c0_i32 : i32, i32
  }
  func.func @transform_2(%arg0: i32) -> (i32, i32) {
    %c0_i32 = arith.constant 0 : i32
    %c0_i32_0 = arith.constant 0 : i32
    %c0_i32_1 = arith.constant 0 : i32
    return %c0_i32, %c0_i32_0 : i32, i32
  }
  func.func @transform_3(%arg0: i32) -> (i32, i32) {
    %c0_i32 = arith.constant 0 : i32
    %c0_i32_0 = arith.constant 0 : i32
    return %arg0, %c0_i32 : i32, i32
  }
}

</mosaic_0001>

<sc_bundles>
// kernel: kernel.12.cloned.1.call-start
scs
__scs_entry_jumppad:
0x0: {  	(pc) =	sbr.rel $0x88, $3  }
0x1: {  	(tag) =	ssettag $0x0;
	lr =	simm.s32 $0x1  }
0x2: {  	[smem:$0x3F9B] =	sst lr;
	_ =	strace $0xD0000000  }
0x3: {  	_ = 	snop  }
0x4: {  	_ = 	snop  }
0x5: {  	_ = 	snop  }
0x6: {  	_ = 	snop  }
0x7: {  	_ = 	snop  }
__scs_overlays_trampoline_lowered:
0x8: {  	[smem:$0x3FAA] =	sst s0  }
0x9: {  	[smem:$0x3FAB] =	sst s1  }
0xa: {  	[smem:$0x3FAC] =	sst s2  }
0xb: {  	[smem:$0x3FAD] =	sst s3  }
0xc: {  	[smem:$0x3FAE] =	sst s4  }
0xd: {  	[smem:$0x3FAF] =	sst s5  }
0xe: {  	[smem:$0x3FB0] =	sst s6  }
0xf: {  	[smem:$0x3FB1] =	sst s7  }
0x10: {  	[smem:$0x3FB2] =	sst s8  }
0x11: {  	[smem:$0x3FB3] =	sst s9;
	s0 =	simm.s32 @!p0 $0x0  }
0x12: {  	s1 =	sld [smem:$0x3F99];
	s0 =	simm.s32 @p0 $0x1  }
0x13: {  	[smem:$0x3FB4] =	sst s0;
	s0 =	simm.s32 @!p1 $0x0  }
0x14: {  	s2 =	sld [smem:$0x3F98];
	s0 =	simm.s32 @p1 $0x1  }
0x15: {  	[smem:$0x3FB5] =	sst s0;
	s0 =	simm.s32 @!p2 $0x0  }
0x16: {  	s3 =	sld [smem:$0x3FDB];
	s0 =	simm.s32 @p2 $0x1  }
0x17: {  	s4 =	simm.s32 $0x1BF5;
	[smem:$0x3FB7] =	sst s0  }
0x18: {  	s0 =	sld [smem:$0x3F9A];
	_ =	swait.ge [sflag:s4], $0x0  }
0x19: {  	s7 =	sld [smem:$0x3F9B]  }
0x1a: {  	s8 =	sadd.s32 $0xFFFFE003, lr  }
0x1b: {  	s9 =	sadd.s32 $0xFFFFFEF7, lr;
	s5 =	simm.s32 $0xFFFFFFFF;
	p2 =	slt.u32 s8, $0xFFFFF086  }
0x1c: {  	p1 =	slt.u32 s9, $0xF7A;
	s5 =	simm.s32 @!p2 $0x0  }
0x1d: {  	s5 =	simm.s32 @p1 $0x1;
	p0 =	seq.s32 s7, s2  }
0x1e: {  	s7 =	smul.u32 @!p0 $0xF7A, s2;
	p2 =	seq.s32 @!p0 s5, $0x0  }
0x1f: {  	s9 =	smul.u32 $0xF7A, s1;
	s8 =	simm.s32 @!p0 $0x1BF5;
	p2 =	por !p2, p0  }
0x20: {  	[sflag:s8] =	ssyncset.s32 @!p0 $0xFFFFF086;
	s6 =	sadd.s32 @!p0 s3, s7;
	s7 =	simm.s32 @!p0 $0x108  }
0x21: {  	s3 =	sadd.s32 s3, s9;
	s6 =	sadd.s32 @!p0 $0x88, s6;
	s7 =	simm.s32 @p2 $0x1082  }
0x22: {  	[simem:s7], [sflag:s8] =	dma.local @!p0 [hbm:s6], $0xF7A  }
0x23: {  	s9 =	sor.u32 $0xD0000000, s2;
	s6 =	simm.s32 $0x108;
	_ =	swait.ge @!p0 [sflag:s8], $0x0  }
0x24: {  	s3 =	sadd.s32 $0x88, s3;
	s6 =	simm.s32 @!p1 $0x1082;
	[sflag:s4] =	ssyncset.s32 $0xFFFFF086  }
0x25: {  	[simem:s6], [sflag:s4] =	dma.local [hbm:s3], $0xF7A  }
0x26: {  	[smem:$0x3F9B] =	sst s1;
	(tag) =	ssettag s2;
	_ =	strace s9  }
0x27: {  	s1 =	sld [smem:$0x3FAB]  }
0x28: {  	s2 =	sld [smem:$0x3FAC]  }
0x29: {  	s4 =	sld [smem:$0x3FAE]  }
0x2a: {  	p0 =	seq.s32 s5, $0x0;
	s5 =	sld [smem:$0x3FAF]  }
0x2b: {  	s6 =	sld [smem:$0x3FB0]  }
0x2c: {  	s7 =	sld [smem:$0x3FB1]  }
0x2d: {  	s3 =	simm.s32 $0x108;
	s8 =	sld [smem:$0x3FB2]  }
0x2e: {  	s3 =	simm.s32 @!p0 $0x1082;
	s9 =	sld [smem:$0x3FB3]  }
0x2f: {  	lr =	sadd.s32 s0, s3;
	s0 =	sld [smem:$0x3FAA]  }
0x30: {  	s3 =	sld [smem:$0x3FAD]  }
0x31: {  	[smem:$0x3FB6] =	sst s10  }
0x32: {  	s10 =	sld [smem:$0x3FB4];
	_ =	sdelay $0x3  }
0x33: {  	p0 =	seq.s32 s10, $0x1;
	s10 =	sld [smem:$0x3FB6];
	_ =	sdelay $0x3  }
0x34: {  	[smem:$0x3FB6] =	sst s10  }
0x35: {  	s10 =	sld [smem:$0x3FB5];
	_ =	sdelay $0x3  }
0x36: {  	p1 =	seq.s32 s10, $0x1;
	s10 =	sld [smem:$0x3FB6];
	_ =	sdelay $0x3  }
0x37: {  	[smem:$0x3FB6] =	sst s10  }
0x38: {  	s10 =	sld [smem:$0x3FB7]  }
0x39: {  	_ = 	snop;
	(pc) =	sbr.ind lr, $3  }
0x3a: {  	_ = 	snop  }
0x3b: {  	_ = 	snop  }
0x3c: {  	p2 =	seq.s32 s10, $0x1;
	s10 =	sld [smem:$0x3FB6]  }
0x3d: {  	_ =	shalt  }
0x3e: {  	_ =	shalt  }
0x3f: {  	_ =	shalt  }
0x40: {  	_ =	shalt  }
0x41: {  	_ =	shalt  }
0x42: {  	_ =	shalt  }
0x43: {  	_ =	shalt  }
0x44: {  	_ =	shalt  }
0x45: {  	_ =	shalt  }
0x46: {  	_ =	shalt  }
0x47: {  	_ =	shalt  }
0x48: {  	_ =	shalt  }
0x49: {  	_ =	shalt  }
0x4a: {  	_ =	shalt  }
0x4b: {  	_ =	shalt  }
0x4c: {  	_ =	shalt  }
0x4d: {  	_ =	shalt  }
0x4e: {  	_ =	shalt  }
0x4f: {  	_ =	shalt  }
0x50: {  	_ =	shalt  }
0x51: {  	_ =	shalt  }
0x52: {  	_ =	shalt  }
0x53: {  	_ =	shalt  }
0x54: {  	_ =	shalt  }
0x55: {  	_ =	shalt  }
0x56: {  	_ =	shalt  }
0x57: {  	_ =	shalt  }
0x58: {  	_ =	shalt  }
0x59: {  	_ =	shalt  }
0x5a: {  	_ =	shalt  }
0x5b: {  	_ =	shalt  }
0x5c: {  	_ =	shalt  }
0x5d: {  	_ =	shalt  }
0x5e: {  	_ =	shalt  }
0x5f: {  	_ =	shalt  }
0x60: {  	_ =	shalt  }
0x61: {  	_ =	shalt  }
0x62: {  	_ =	shalt  }
0x63: {  	_ =	shalt  }
0x64: {  	_ =	shalt  }
0x65: {  	_ =	shalt  }
0x66: {  	_ =	shalt  }
0x67: {  	_ =	shalt  }
0x68: {  	_ =	shalt  }
0x69: {  	_ =	shalt  }
0x6a: {  	_ =	shalt  }
0x6b: {  	_ =	shalt  }
0x6c: {  	_ =	shalt  }
0x6d: {  	_ =	shalt  }
0x6e: {  	_ =	shalt  }
0x6f: {  	_ =	shalt  }
0x70: {  	_ =	shalt  }
0x71: {  	_ =	shalt  }
0x72: {  	_ =	shalt  }
0x73: {  	_ =	shalt  }
0x74: {  	_ =	shalt  }
0x75: {  	_ =	shalt  }
0x76: {  	_ =	shalt  }
0x77: {  	_ =	shalt  }
0x78: {  	_ =	shalt  }
0x79: {  	_ =	shalt  }
0x7a: {  	_ =	shalt  }
0x7b: {  	_ =	shalt  }
0x7c: {  	_ =	shalt  }
0x7d: {  	_ =	shalt  }
0x7e: {  	_ =	shalt  }
0x7f: {  	_ =	shalt  }
0x80: {  	_ =	shalt  }
0x81: {  	_ =	shalt  }
0x82: {  	_ =	shalt  }
0x83: {  	_ =	shalt  }
0x84: {  	_ =	shalt  }
0x85: {  	_ =	shalt  }
0x86: {  	_ =	shalt  }
0x87: {  	_ =	shalt  }
.Lfunc_end0:
.L_simem_size_0:
called_computation.1_lowered:
.L_overlay_start_0:
0x88: {  	s2 =	sld [smem:$0x3FD9]  }
0x89: {  	s3 =	sld [smem:$0x3FFE];
	_ =	sdelay $0x1  }
0x8a: {  	s1 =	srdreg.scid  }
0x8b: {  	s0 =	sand.u32 $0x1, s1  }
0x8c: {  	s16 =	sshll.u32 s0, $0xA;
	s2 =	sadd.s32 s3, s2  }
0x8d: {  	s2 =	sadd.s32 s2, s16  }
0x8e: {  	[smem:$0x3FC2] =	sst s2  }
0x8f: {  	_ = 	snop  }
0x90: {  	(tm) =	ssettm $0x1  }
0x91: {  	s17 =	sld [smem:$0x3FFB];
	_ =	sdelay $0x3  }
0x92: {  	_ =	strace s17  }
0x93: {  	s2 =	sld [smem:$0x3FFC];
	_ =	sdelay $0x3  }
0x94: {  	_ =	strace s2  }
0x95: {  	s2 =	sld [smem:$0x3FFD];
	_ =	sdelay $0x3  }
0x96: {  	_ =	strace s2  }
0x97: {  	_ =	strace $0x8FFFFFFF  }
0x98: {  	s18 =	sld [smem:$0x3FDB];
	_ =	sdelay $0x1  }
0x99: {  	s19 =	simm.s32 $_scs_section_size  }
0x9a: {  	s4 =	simm.s32 $_size__tile_overlayer_lowered;
	s5 =	simm.s32 $_tile_overlayer_lowered  }
0x9b: {  	s22 =	simm.s32 $0x1BFF;
	s21 =	sshll.u32 s5, $0x1;
	s2 =	sadd.s32 s19, s18  }
0x9c: {  	s6 =	simm.s32 $0x0;
	s20 =	sshll.u32 s4, $0x1;
	s4 =	sadd.s32 s21, s2  }
0x9d: {  	[timem:s6], [sflag:s22] =	dma.local [hbm:s4], s20  }
0x9e: {  	_ =	swait.ge [sflag:s22], s20  }
0x9f: {  	s3 =	ssub.s32 $0x0, s20;
	[sflag:s22] =	ssyncset.done $0x0  }
0xa0: {  	[sflag:s22] =	ssyncadd.s32 s3;
	_ =	sdelay $0x1  }
0xa1: {  	s23 =	simm.s32 $0x1B8B  }
0xa2: {  	_ =	swait.ge [sflag:s23], $0x1  }
0xa3: {  	[sflag:s23] =	ssyncset.done $0x0  }
0xa4: {  	s25 =	simm.s32 $0x1B8E;
	s24 =	sld [smem:$0x3FFE];
	[sflag:s23] =	ssyncadd.s32 $0xFFFFFFFF  }
0xa5: {  	s26 =	simm.s32 $execute0_lowered;
	[smem:$0x3FD2] =	sst s25  }
0xa6: {  	s4 =	sshll.u32 s26, $0x1;
	_ =	strace $0x80000049;
	[dreg:$0x1] =	wrdreg $0xFFFFFFFF  }
0xa7: {  	s28 =	simm.s32 $_size_execute0_lowered;
	s2 =	sadd.s32 s2, s4;
	[dreg:$0x0] =	wrdreg $0x0  }
0xa8: {  	s4 =	sshll.u32 s28, $0x1;
	[dreg:$0x2] =	wrdreg s2  }
0xa9: {  	[dreg:$0x3] =	wrdreg s4  }
0xaa: {  	[dreg:$0x4] =	wrdreg $0xC0  }
0xab: {  	_ =	task [dreg:s6], $0x5FFFF  }
0xac: {  	[dreg:$0x1] =	wrdreg $0xFFFFFFFF  }
0xad: {  	[dreg:$0x0] =	wrdreg $0x60  }
0xae: {  	[dreg:$0x2] =	wrdreg s24  }
0xaf: {  	[dreg:$0x3] =	wrdreg $0x6F000  }
0xb0: {  	[dreg:$0x4] =	wrdreg $0x10D000  }
0xb1: {  	[dreg:$0x5] =	wrdreg $0x9  }
0xb2: {  	_ =	task.clear_ibuf [dreg:s6], $0x6FFFF;
	_ =	strace $0x90000049  }
0xb3: {  	s29 =	simm.s32 $0x9;
	_ =	strace $0x8000004B  }
0xb4: {  	_ =	swait.ge [sflag:s29], $0x1  }
0xb5: {  	[sflag:s29] =	ssyncadd.s32 $0xFFFFFFFF  }
0xb6: {  	_ =	strace $0x9000004B  }
0xb7: {  	_ =	sfence  }
0xb8: {  	s30 =	sld [smem:$0x0];
	_ =	sdelay $0x2  }
0xb9: {  	s31 =	sshll.u32 s1, $0xD;
	s1 =	sshrl.u32 s1, $0x2  }
0xba: {  	s3 =	sand.u32 $0x4000, s31;
	s1 =	sadd.s32 s1, s30  }
0xbb: {  	s0 =	sor.u32 s3, s0;
	s1 =	sshll.u32 s1, $0x11  }
0xbc: {  	s0 =	sor.u32 s1, s0  }
0xbd: {  	s0 =	sadd.s32 $0x8F2B, s0  }
0xbe: {  	[sflag:s0] =	ssyncadd.remote.s32 $0x1  }
0xbf: {  	_ =	sfence.sel $0xFFFF  }
0xc0: {  	[dreg:$0x0] =	wrdreg $0xFFFFFFFF;
	(pc) =	sbr.abs _section_cstart, $3  }
0xc1: {  	[dreg:$0x1] =	wrdreg $0xFFFFFFFF  }
0xc2: {  	_ =	task.clear_ibuf [dreg:s6], $0x2FFFF;
	_ =	strace $0x9FFFFFFF  }
0xc3: {  	(tm) =	ssettm $0x7FFFFFFF  }
tec
execute0_lowered:
.L_overlay_start_1:
0x0: {  	(tag) =	ssettag $0x1  }
0x1: {  	s16 =	rddreg [dreg:$0x0]  }
0x2: {  	s2 =	rddreg [dreg:$0x1];
	s1 =	srdreg.scid  }
0x3: {  	s0 =	stileid.u32;
	s3 =	rddreg [dreg:$0x2]  }
0x4: {  	s4 =	simm.s32 $0x0;
	s19 =	simm.s32 $0x16000;
	s20 =	simm.s32 $0x4F00  }
0x5: {  	s21 =	simm.s32 $0x2780;
	s22 =	simm.s32 $0x80;
	s23 =	simm.s32 $0x1  }
0x6: {  	s5 =	sand.u32 $0x1, s1;
	s12 =	smul.u32 $0x9E00, s0;
	s1 =	rddreg [dreg:$0x3]  }
0x7: {  	[smem:$0x7FF] =	sst s4;
	s9 =	sadd.s32 $0xC200, s16;
	s8 =	smul.u32 $0x27800, s0  }
0x8: {  	s10 =	sadd.s32 $0x2400, s16;
	s30 =	smul.u32 $0x4F00, s0;
	s31 =	sshll.u32 s0, $0x6  }
0x9: {  	s6 =	smul.u32 $0x9E000, s5;
	_ =	strace $0x8000004A;
	s7 =	ssub.s32 $0x2, s5  }
0xa: {  	p0 =	seq.s32 s5, $0x1;
	s28 =	sshrl.u32 s7, $0x1;
	s29 =	sshrl.u32 s8, $0x2  }
0xb: {  	s18 =	sadd.s32 s12, s2;
	s17 =	sshrl.u32 s12, $0x3;
	s14 =	sshrl.u32 s30, $0x3  }
0xc: {  	s24 =	sadd.s32 s12, s3;
	s19 =	simm.s32 @!p0 $0x29C00;
	s6 =	sadd.s32 s12, s6  }
0xd: {  	s13 =	ssub.s32 s7, s28;
	s5 =	sadd.s32 s29, s3;
	s7 =	sadd.s32 s9, s14  }
0xe: {  	s8 =	sadd.s32 s10, s14;
	s14 =	sadd.s32 $0x4F0, s14;
	s18 =	sshrl.u32 s18, $0x3  }
0xf: {  	s24 =	sshrl.u32 s24, $0x3;
	s6 =	sshrl.u32 s6, $0x3;
	s9 =	sadd.s32 s9, s14  }
0x10: {  	s10 =	sadd.s32 s10, s14;
	s12 =	smax.u32 s13, $0x1;
	s13 =	sadd.s32 $0x2000, s5  }
0x11: {  	s14 =	sadd.s32 $0x4000, s5;
	s15 =	sadd.s32 $0x6000, s5;
	s11 =	sadd.s32 s6, s16  }
0x12: {  	s6 =	sadd.s32 $0x8000, s5;
	s16 =	sadd.s32 s19, s16;
	s19 =	simm.s32 $0x2  }
0x13: {  	v0 =	vimm.f32 $0.0e+00;
	s11 =	sadd.s32 $0x3D800, s11;
	s16 =	sadd.s32 s16, s17;
	s17 =	sor.u32 $0x1C02, s31  }
.LBB2_1:
0x14: {  	[spmem:s18], [sflag:s17] =	dma.local [hbm:s16], $0x13C0  }
0x15: {  	_ =	swait.ge [sflag:s19], $0x13C0  }
0x16: {  	[sflag:s19] =	ssyncset.done $0x0  }
0x17: {  	s26 =	simm.s32 $0x100;
	s25 =	simm.s32 $0x0;
	[sflag:s19] =	ssyncadd.s32 $0xFFFFEC40  }
.LBB2_2:
0x18: {  	p0 =	seq.s32 s26, $0x7F00;
	[tilespmem:s25+$0x4F30] =	vst v0;
	s28 =	smov.u32 s26;
	s26 =	sadd.s32 $0x100, s26  }
.Ltmp0:
0x19: {  	[tilespmem:s25+$0x4F20] =	vst v0;
	(pc) =	sbr.rel @!p0 .LBB2_2-.Ltmp0, $3  }
0x1a: {  	[tilespmem:s25+$0x4F00] =	vst v0  }
0x1b: {  	[tilespmem:s25+$0x4F10] =	vst v0;
	_ =	sdelay $0x1  }
0x1c: {  	s25 =	sshra.s32 s28, $0x2  }
0x1d: {  	[tilespmem:s25+$0x4F30] =	vst v0  }
0x1e: {  	[tilespmem:s25+$0x4F20] =	vst v0  }
0x1f: {  	[tilespmem:s25+$0x4F00] =	vst v0  }
0x20: {  	[tilespmem:s25+$0x4F10] =	vst v0  }
0x21: {  	[spmem:s5] =	stream.linear.scatter [tilespmem:s20], [sflag:$0x2], $0x2000, $0x38;
	[tilespmem:$0x1AB00] =	vst v63  }
0x22: {  	_ =	swait.ge [sflag:s19], $0x2000  }
0x23: {  	[sflag:s19] =	ssyncset.done $0x0  }
0x24: {  	[sflag:s19] =	ssyncadd.s32 $0xFFFFE000  }
0x25: {  	[spmem:s13] =	stream.linear.scatter [tilespmem:s20], [sflag:$0x2], $0x2000, $0x38;
	[tilespmem:$0x1AB00] =	vst v63  }
0x26: {  	_ =	swait.ge [sflag:s19], $0x2000  }
0x27: {  	[sflag:s19] =	ssyncset.done $0x0  }
0x28: {  	[sflag:s19] =	ssyncadd.s32 $0xFFFFE000  }
0x29: {  	[spmem:s14] =	stream.linear.scatter [tilespmem:s20], [sflag:$0x2], $0x2000, $0x38;
	[tilespmem:$0x1AB00] =	vst v63  }
0x2a: {  	_ =	swait.ge [sflag:s19], $0x2000  }
0x2b: {  	[sflag:s19] =	ssyncset.done $0x0  }
0x2c: {  	[sflag:s19] =	ssyncadd.s32 $0xFFFFE000  }
0x2d: {  	[spmem:s15] =	stream.linear.scatter [tilespmem:s20], [sflag:$0x2], $0x2000, $0x38;
	[tilespmem:$0x1AB00] =	vst v63  }
0x2e: {  	_ =	swait.ge [sflag:s19], $0x2000  }
0x2f: {  	[sflag:s19] =	ssyncset.done $0x0  }
0x30: {  	[sflag:s19] =	ssyncadd.s32 $0xFFFFE000  }
0x31: {  	[spmem:s6] =	stream.linear.scatter [tilespmem:s20], [sflag:$0x2], $0x1E00, $0x38;
	[tilespmem:$0x1AB00] =	vst v63  }
0x32: {  	_ =	swait.ge [sflag:s19], $0x1E00  }
0x33: {  	[sflag:s19] =	ssyncset.done $0x0  }
0x34: {  	[sflag:s19] =	ssyncadd.s32 $0xFFFFE200  }
0x35: {  	s29 =	simm.s32 $0x0;
	[bflag:$0x0] =	sbarrier.arrive $0xFFFF  }
0x36: {  	[tilespmem:s29], [sflag:$0x2] =	stream.linear.gather [hbm4b:s7+s29], $0x2780, $0x38;
	[tilespmem:$0x1AB00] =	vst v63  }
0x37: {  	_ =	swait.ge [sflag:s19], $0x2780  }
0x38: {  	[sflag:s19] =	ssyncset.done $0x0  }
0x39: {  	[sflag:s19] =	ssyncadd.s32 $0xFFFFD880  }
0x3a: {  	[tilespmem:s21], [sflag:$0x2] =	stream.linear.gather [hbm4b:s8+s29], $0x2780, $0x38;
	[tilespmem:$0x1AB00] =	vst v63  }
0x3b: {  	_ =	swait.ge [sflag:s19], $0x2780  }
0x3c: {  	[sflag:s19] =	ssyncset.done $0x0  }
0x3d: {  	s30 =	simm.s32 $0x0;
	[sflag:s19] =	ssyncadd.s32 $0xFFFFD880  }
0x3e: {  	[tilespmem:s20], [sflag:$0x1] =	stream.indirect.gather [spmem:s2], $0x40, s30, s22, $0xb8;
	[tilespmem:$0x1AB00] =	vst v63  }
0x3f: {  	_ =	swait.ge [sflag:s23], $0x2000  }
0x40: {  	[sflag:s23] =	ssyncset.done $0x0  }
0x41: {  	s31 =	simm.s32 $0x2780;
	[sflag:s23] =	ssyncadd.s32 $0xFFFFE000  }
0x42: {  	[spmem:s3] =	stream.indirect.scatter.add.f32 [tilespmem:s20], [sflag:$0x2], $0x40, s31, s22, $0xb8;
	[tilespmem:$0x1AB00] =	vst v63  }
0x43: {  	_ =	swait.ge [sflag:s19], $0x2000  }
0x44: {  	s25 =	simm.s32 $0x200;
	s26 =	simm.s32 $0x400;
	[sflag:s19] =	ssyncset.done $0x0  }
.LBB2_4:
0x45: {  	s28 =	sshra.s32 s25, $0x2  }
0x46: {  	[sflag:s19] =	ssyncadd.s32 $0xFFFFE000;
	s25 =	smov.u32 s26;
	s29 =	sadd.s32 $0x200, s26  }
0x47: {  	[tilespmem:s20], [sflag:$0x1] =	stream.indirect.gather [spmem:s2], $0x40, s28, s22, $0xb8;
	[tilespmem:$0x1AB00] =	vst v63  }
0x48: {  	p0 =	sne.s32 s26, $0x9C00;
	_ =	swait.ge [sflag:s23], $0x2000  }
.Ltmp1:
0x49: {  	[sflag:s23] =	ssyncset.done $0x0;
	(pc) =	sbr.rel @p0 .LBB2_4-.Ltmp1, $4  }
0x4a: {  	s26 =	sadd.s32 $0x2780, s28;
	[sflag:s23] =	ssyncadd.s32 $0xFFFFE000  }
0x4b: {  	[spmem:s3] =	stream.indirect.scatter.add.f32 [tilespmem:s20], [sflag:$0x2], $0x40, s26, s22, $0xb8;
	[tilespmem:$0x1AB00] =	vst v63  }
0x4c: {  	_ =	swait.ge [sflag:s19], $0x2000  }
0x4d: {  	s26 =	smov.u32 s29;
	[sflag:s19] =	ssyncset.done $0x0  }
0x4e: {  	s25 =	sshra.s32 s25, $0x2;
	[sflag:s19] =	ssyncadd.s32 $0xFFFFE000  }
0x4f: {  	[tilespmem:s20], [sflag:$0x1] =	stream.indirect.gather [spmem:s2], $0x40, s25, s22, $0xb8;
	[tilespmem:$0x1AB00] =	vst v63  }
0x50: {  	_ =	swait.ge [sflag:s23], $0x2000  }
0x51: {  	[sflag:s23] =	ssyncset.done $0x0  }
0x52: {  	s25 =	sadd.s32 $0x2780, s25;
	[sflag:s23] =	ssyncadd.s32 $0xFFFFE000  }
0x53: {  	[spmem:s3] =	stream.indirect.scatter.add.f32 [tilespmem:s20], [sflag:$0x2], $0x40, s25, s22, $0xb8;
	[tilespmem:$0x1AB00] =	vst v63  }
0x54: {  	_ =	swait.ge [sflag:s19], $0x2000  }
0x55: {  	[sflag:s19] =	ssyncset.done $0x0  }
0x56: {  	s29 =	simm.s32 $0x0;
	[sflag:s19] =	ssyncadd.s32 $0xFFFFE000  }
0x57: {  	[tilespmem:s29], [sflag:$0x2] =	stream.linear.gather [hbm4b:s9+s29], $0x2780, $0x38;
	[tilespmem:$0x1AB00] =	vst v63  }
0x58: {  	_ =	swait.ge [sflag:s19], $0x2780  }
0x59: {  	[sflag:s19] =	ssyncset.done $0x0  }
0x5a: {  	[sflag:s19] =	ssyncadd.s32 $0xFFFFD880  }
0x5b: {  	[tilespmem:s21], [sflag:$0x2] =	stream.linear.gather [hbm4b:s10+s29], $0x2780, $0x38;
	[tilespmem:$0x1AB00] =	vst v63  }
0x5c: {  	_ =	swait.ge [sflag:s19], $0x2780  }
0x5d: {  	[sflag:s19] =	ssyncset.done $0x0  }
0x5e: {  	s30 =	simm.s32 $0x0;
	[sflag:s19] =	ssyncadd.s32 $0xFFFFD880  }
0x5f: {  	[tilespmem:s20], [sflag:$0x1] =	stream.indirect.gather [spmem:s2], $0x40, s30, s22, $0xb8;
	[tilespmem:$0x1AB00] =	vst v63  }
0x60: {  	_ =	swait.ge [sflag:s23], $0x2000  }
0x61: {  	[sflag:s23] =	ssyncset.done $0x0  }
0x62: {  	s31 =	simm.s32 $0x2780;
	[sflag:s23] =	ssyncadd.s32 $0xFFFFE000  }
0x63: {  	[spmem:s3] =	stream.indirect.scatter.add.f32 [tilespmem:s20], [sflag:$0x2], $0x40, s31, s22, $0xb8;
	[tilespmem:$0x1AB00] =	vst v63  }
0x64: {  	_ =	swait.ge [sflag:s19], $0x2000  }
0x65: {  	s26 =	simm.s32 $0x400;
	s25 =	simm.s32 $0x200;
	[sflag:s19] =	ssyncset.done $0x0  }
.LBB2_6:
0x66: {  	s28 =	sshra.s32 s25, $0x2  }
0x67: {  	[sflag:s19] =	ssyncadd.s32 $0xFFFFE000;
	s25 =	smov.u32 s26;
	s29 =	sadd.s32 $0x200, s26  }
0x68: {  	[tilespmem:s20], [sflag:$0x1] =	stream.indirect.gather [spmem:s2], $0x40, s28, s22, $0xb8;
	[tilespmem:$0x1AB00] =	vst v63  }
0x69: {  	p0 =	sne.s32 s26, $0x9C00;
	_ =	swait.ge [sflag:s23], $0x2000  }
.Ltmp2:
0x6a: {  	[sflag:s23] =	ssyncset.done $0x0;
	(pc) =	sbr.rel @p0 .LBB2_6-.Ltmp2, $4  }
0x6b: {  	s26 =	sadd.s32 $0x2780, s28;
	[sflag:s23] =	ssyncadd.s32 $0xFFFFE000  }
0x6c: {  	[spmem:s3] =	stream.indirect.scatter.add.f32 [tilespmem:s20], [sflag:$0x2], $0x40, s26, s22, $0xb8;
	[tilespmem:$0x1AB00] =	vst v63  }
0x6d: {  	_ =	swait.ge [sflag:s19], $0x2000  }
0x6e: {  	s26 =	smov.u32 s29;
	[sflag:s19] =	ssyncset.done $0x0  }
0x6f: {  	s25 =	sshra.s32 s25, $0x2;
	[sflag:s19] =	ssyncadd.s32 $0xFFFFE000  }
0x70: {  	[tilespmem:s20], [sflag:$0x1] =	stream.indirect.gather [spmem:s2], $0x40, s25, s22, $0xb8;
	[tilespmem:$0x1AB00] =	vst v63  }
0x71: {  	_ =	swait.ge [sflag:s23], $0x2000  }
0x72: {  	[sflag:s23] =	ssyncset.done $0x0  }
0x73: {  	s25 =	sadd.s32 $0x2780, s25;
	[sflag:s23] =	ssyncadd.s32 $0xFFFFE000  }
0x74: {  	[spmem:s3] =	stream.indirect.scatter.add.f32 [tilespmem:s20], [sflag:$0x2], $0x40, s25, s22, $0xb8;
	[tilespmem:$0x1AB00] =	vst v63  }
0x75: {  	_ =	swait.ge [sflag:s19], $0x2000  }
0x76: {  	s4 =	sadd.s32 $0x1, s4;
	[sflag:s19] =	ssyncset.done $0x0  }
0x77: {  	p0 =	sne.s32 s4, s12;
	[sflag:s19] =	ssyncadd.s32 $0xFFFFE000  }
.Ltmp3:
0x78: {  	[bflag:$0x0] =	sbarrier.arrive $0xFFFF;
	(pc) =	sbr.rel @p0 .LBB2_1-.Ltmp3, $4  }
0x79: {  	[hbm:s11], [sflag:s17] =	dma.local [spmem:s24], $0x13C0  }
0x7a: {  	_ =	swait.ge [sflag:s19], $0x13C0  }
0x7b: {  	[sflag:s19] =	ssyncset.done $0x0  }
0x7c: {  	[sflag:s19] =	ssyncadd.s32 $0xFFFFEC40  }
0x7d: {  	_ =	sfence.sel $0x180000  }
0x7e: {  	[bflag:$0x0] =	sbarrier.arrive $0xFFFF  }
0x7f: {  	p0 =	sne.s32 s0, $0x0;
	_ =	strace $0x9000004A  }
0x80: {  	s0 =	sadd.s32 @!p0 $0x100000, s1;
	[bflag:$0x2] =	sbarrier.arrive $0xFFFF  }
0x81: {  	[sflag:s0] =	ssyncadd.tile.s32 @!p0 $0x1;
	_ =	shalt  }
.Lfunc_end2:
_tile_overlayer_lowered:
.L_overlay_start_2:
0x82: {  	(tag) =	ssettag $0x2  }
0x83: {  	s0 =	rddreg [dreg:$0x0];
	s2 =	stileid.u32  }
0x84: {  	s1 =	rddreg [dreg:$0x1];
	p0 =	sne.s32 s2, $0x0  }
0x85: {  	s3 =	rddreg [dreg:$0x2];
	[bflag:$0x3] =	sbarrier.arrive $0xFFFF;
	s2 =	simm.s32 @!p0 $0x1C02  }
0x86: {  	[timem:s3], [sflag:s2] =	dma.local @!p0 [hbm:s0], s1  }
0x87: {  	s0 =	simm.s32 @!p0 $0x2  }
0x88: {  	_ =	swait.ge @!p0 [sflag:s0], s1  }
0x89: {  	s1 =	ssub.s32 @!p0 $0x0, s1;
	[sflag:s0] =	ssyncset.done @!p0 $0x0  }
0x8a: {  	[sflag:s0] =	ssyncadd.s32 @!p0 s1  }
0x8b: {  	[bflag:$0x3] =	sbarrier.arrive $0xFFFF  }
0x8c: {  	_ =	shalt  }

// kernel: kernel.15.cloned.1.call-start
scs
__scs_entry_jumppad:
0x0: {  	(pc) =	sbr.rel $0x88, $3  }
0x1: {  	(tag) =	ssettag $0x0;
	lr =	simm.s32 $0x1  }
0x2: {  	[smem:$0x3F9B] =	sst lr;
	_ =	strace $0xD0000000  }
0x3: {  	_ = 	snop  }
0x4: {  	_ = 	snop  }
0x5: {  	_ = 	snop  }
0x6: {  	_ = 	snop  }
0x7: {  	_ = 	snop  }
__scs_overlays_trampoline_lowered:
0x8: {  	[smem:$0x3FAA] =	sst s0  }
0x9: {  	[smem:$0x3FAB] =	sst s1  }
0xa: {  	[smem:$0x3FAC] =	sst s2  }
0xb: {  	[smem:$0x3FAD] =	sst s3  }
0xc: {  	[smem:$0x3FAE] =	sst s4  }
0xd: {  	[smem:$0x3FAF] =	sst s5  }
0xe: {  	[smem:$0x3FB0] =	sst s6  }
0xf: {  	[smem:$0x3FB1] =	sst s7  }
0x10: {  	[smem:$0x3FB2] =	sst s8  }
0x11: {  	[smem:$0x3FB3] =	sst s9;
	s0 =	simm.s32 @!p0 $0x0  }
0x12: {  	s1 =	sld [smem:$0x3F99];
	s0 =	simm.s32 @p0 $0x1  }
0x13: {  	[smem:$0x3FB4] =	sst s0;
	s0 =	simm.s32 @!p1 $0x0  }
0x14: {  	s2 =	sld [smem:$0x3F98];
	s0 =	simm.s32 @p1 $0x1  }
0x15: {  	[smem:$0x3FB5] =	sst s0;
	s0 =	simm.s32 @!p2 $0x0  }
0x16: {  	s3 =	sld [smem:$0x3FDB];
	s0 =	simm.s32 @p2 $0x1  }
0x17: {  	s4 =	simm.s32 $0x1BF5;
	[smem:$0x3FB7] =	sst s0  }
0x18: {  	s0 =	sld [smem:$0x3F9A];
	_ =	swait.ge [sflag:s4], $0x0  }
0x19: {  	s7 =	sld [smem:$0x3F9B]  }
0x1a: {  	s8 =	sadd.s32 $0xFFFFE003, lr  }
0x1b: {  	s9 =	sadd.s32 $0xFFFFFEF7, lr;
	s5 =	simm.s32 $0xFFFFFFFF;
	p2 =	slt.u32 s8, $0xFFFFF086  }
0x1c: {  	p1 =	slt.u32 s9, $0xF7A;
	s5 =	simm.s32 @!p2 $0x0  }
0x1d: {  	s5 =	simm.s32 @p1 $0x1;
	p0 =	seq.s32 s7, s2  }
0x1e: {  	s7 =	smul.u32 @!p0 $0xF7A, s2;
	p2 =	seq.s32 @!p0 s5, $0x0  }
0x1f: {  	s9 =	smul.u32 $0xF7A, s1;
	s8 =	simm.s32 @!p0 $0x1BF5;
	p2 =	por !p2, p0  }
0x20: {  	[sflag:s8] =	ssyncset.s32 @!p0 $0xFFFFF086;
	s6 =	sadd.s32 @!p0 s3, s7;
	s7 =	simm.s32 @!p0 $0x108  }
0x21: {  	s3 =	sadd.s32 s3, s9;
	s6 =	sadd.s32 @!p0 $0x88, s6;
	s7 =	simm.s32 @p2 $0x1082  }
0x22: {  	[simem:s7], [sflag:s8] =	dma.local @!p0 [hbm:s6], $0xF7A  }
0x23: {  	s9 =	sor.u32 $0xD0000000, s2;
	s6 =	simm.s32 $0x108;
	_ =	swait.ge @!p0 [sflag:s8], $0x0  }
0x24: {  	s3 =	sadd.s32 $0x88, s3;
	s6 =	simm.s32 @!p1 $0x1082;
	[sflag:s4] =	ssyncset.s32 $0xFFFFF086  }
0x25: {  	[simem:s6], [sflag:s4] =	dma.local [hbm:s3], $0xF7A  }
0x26: {  	[smem:$0x3F9B] =	sst s1;
	(tag) =	ssettag s2;
	_ =	strace s9  }
0x27: {  	s1 =	sld [smem:$0x3FAB]  }
0x28: {  	s2 =	sld [smem:$0x3FAC]  }
0x29: {  	s4 =	sld [smem:$0x3FAE]  }
0x2a: {  	p0 =	seq.s32 s5, $0x0;
	s5 =	sld [smem:$0x3FAF]  }
0x2b: {  	s6 =	sld [smem:$0x3FB0]  }
0x2c: {  	s7 =	sld [smem:$0x3FB1]  }
0x2d: {  	s3 =	simm.s32 $0x108;
	s8 =	sld [smem:$0x3FB2]  }
0x2e: {  	s3 =	simm.s32 @!p0 $0x1082;
	s9 =	sld [smem:$0x3FB3]  }
0x2f: {  	lr =	sadd.s32 s0, s3;
	s0 =	sld [smem:$0x3FAA]  }
0x30: {  	s3 =	sld [smem:$0x3FAD]  }
0x31: {  	[smem:$0x3FB6] =	sst s10  }
0x32: {  	s10 =	sld [smem:$0x3FB4];
	_ =	sdelay $0x3  }
0x33: {  	p0 =	seq.s32 s10, $0x1;
	s10 =	sld [smem:$0x3FB6];
	_ =	sdelay $0x3  }
0x34: {  	[smem:$0x3FB6] =	sst s10  }
0x35: {  	s10 =	sld [smem:$0x3FB5];
	_ =	sdelay $0x3  }
0x36: {  	p1 =	seq.s32 s10, $0x1;
	s10 =	sld [smem:$0x3FB6];
	_ =	sdelay $0x3  }
0x37: {  	[smem:$0x3FB6] =	sst s10  }
0x38: {  	s10 =	sld [smem:$0x3FB7]  }
0x39: {  	_ = 	snop;
	(pc) =	sbr.ind lr, $3  }
0x3a: {  	_ = 	snop  }
0x3b: {  	_ = 	snop  }
0x3c: {  	p2 =	seq.s32 s10, $0x1;
	s10 =	sld [smem:$0x3FB6]  }
0x3d: {  	_ =	shalt  }
0x3e: {  	_ =	shalt  }
0x3f: {  	_ =	shalt  }
0x40: {  	_ =	shalt  }
0x41: {  	_ =	shalt  }
0x42: {  	_ =	shalt  }
0x43: {  	_ =	shalt  }
0x44: {  	_ =	shalt  }
0x45: {  	_ =	shalt  }
0x46: {  	_ =	shalt  }
0x47: {  	_ =	shalt  }
0x48: {  	_ =	shalt  }
0x49: {  	_ =	shalt  }
0x4a: {  	_ =	shalt  }
0x4b: {  	_ =	shalt  }
0x4c: {  	_ =	shalt  }
0x4d: {  	_ =	shalt  }
0x4e: {  	_ =	shalt  }
0x4f: {  	_ =	shalt  }
0x50: {  	_ =	shalt  }
0x51: {  	_ =	shalt  }
0x52: {  	_ =	shalt  }
0x53: {  	_ =	shalt  }
0x54: {  	_ =	shalt  }
0x55: {  	_ =	shalt  }
0x56: {  	_ =	shalt  }
0x57: {  	_ =	shalt  }
0x58: {  	_ =	shalt  }
0x59: {  	_ =	shalt  }
0x5a: {  	_ =	shalt  }
0x5b: {  	_ =	shalt  }
0x5c: {  	_ =	shalt  }
0x5d: {  	_ =	shalt  }
0x5e: {  	_ =	shalt  }
0x5f: {  	_ =	shalt  }
0x60: {  	_ =	shalt  }
0x61: {  	_ =	shalt  }
0x62: {  	_ =	shalt  }
0x63: {  	_ =	shalt  }
0x64: {  	_ =	shalt  }
0x65: {  	_ =	shalt  }
0x66: {  	_ =	shalt  }
0x67: {  	_ =	shalt  }
0x68: {  	_ =	shalt  }
0x69: {  	_ =	shalt  }
0x6a: {  	_ =	shalt  }
0x6b: {  	_ =	shalt  }
0x6c: {  	_ =	shalt  }
0x6d: {  	_ =	shalt  }
0x6e: {  	_ =	shalt  }
0x6f: {  	_ =	shalt  }
0x70: {  	_ =	shalt  }
0x71: {  	_ =	shalt  }
0x72: {  	_ =	shalt  }
0x73: {  	_ =	shalt  }
0x74: {  	_ =	shalt  }
0x75: {  	_ =	shalt  }
0x76: {  	_ =	shalt  }
0x77: {  	_ =	shalt  }
0x78: {  	_ =	shalt  }
0x79: {  	_ =	shalt  }
0x7a: {  	_ =	shalt  }
0x7b: {  	_ =	shalt  }
0x7c: {  	_ =	shalt  }
0x7d: {  	_ =	shalt  }
0x7e: {  	_ =	shalt  }
0x7f: {  	_ =	shalt  }
0x80: {  	_ =	shalt  }
0x81: {  	_ =	shalt  }
0x82: {  	_ =	shalt  }
0x83: {  	_ =	shalt  }
0x84: {  	_ =	shalt  }
0x85: {  	_ =	shalt  }
0x86: {  	_ =	shalt  }
0x87: {  	_ =	shalt  }
.Lfunc_end0:
.L_simem_size_0:
called_computation.2_lowered:
.L_overlay_start_0:
0x88: {  	s2 =	sld [smem:$0x3FD9]  }
0x89: {  	s3 =	sld [smem:$0x3FFE];
	_ =	sdelay $0x1  }
0x8a: {  	s1 =	srdreg.scid  }
0x8b: {  	s0 =	sand.u32 $0x1, s1  }
0x8c: {  	s17 =	sshll.u32 s0, $0xA;
	s2 =	sadd.s32 s3, s2  }
0x8d: {  	s2 =	sadd.s32 s2, s17  }
0x8e: {  	[smem:$0x3FC2] =	sst s2  }
0x8f: {  	_ = 	snop  }
0x90: {  	s2 =	sld [smem:$0x3FD0];
	(tm) =	ssettm $0x1  }
0x91: {  	s18 =	sld [smem:$0x3FFB];
	_ =	sdelay $0x3  }
0x92: {  	_ =	strace s18  }
0x93: {  	s3 =	sld [smem:$0x3FFC];
	_ =	sdelay $0x3  }
0x94: {  	_ =	strace s3  }
0x95: {  	s3 =	sld [smem:$0x3FFD];
	_ =	sdelay $0x3  }
0x96: {  	_ =	strace s3  }
0x97: {  	_ =	strace $0x8FFFFFFF  }
0x98: {  	s19 =	sld [smem:$0x3FDB];
	_ =	sdelay $0x1  }
0x99: {  	s4 =	simm.s32 $_scs_section_size  }
0x9a: {  	s5 =	simm.s32 $_size__tile_overlayer_lowered;
	s6 =	simm.s32 $_tile_overlayer_lowered  }
0x9b: {  	s22 =	simm.s32 $0x1BFF;
	s21 =	sshll.u32 s6, $0x1;
	s3 =	sadd.s32 s4, s19  }
0x9c: {  	s7 =	simm.s32 $0x0;
	s20 =	sshll.u32 s5, $0x1;
	s5 =	sadd.s32 s21, s3  }
0x9d: {  	[timem:s7], [sflag:s22] =	dma.local [hbm:s5], s20  }
0x9e: {  	_ =	swait.ge [sflag:s22], s20  }
0x9f: {  	s4 =	ssub.s32 $0x0, s20;
	[sflag:s22] =	ssyncset.done $0x0  }
0xa0: {  	[sflag:s22] =	ssyncadd.s32 s4;
	_ =	sdelay $0x1  }
0xa1: {  	s23 =	simm.s32 $0x1B8B  }
0xa2: {  	_ =	swait.ge [sflag:s23], $0x1  }
0xa3: {  	[sflag:s23] =	ssyncset.done $0x0  }
0xa4: {  	s25 =	simm.s32 $0x1B8E;
	s24 =	sld [smem:$0x3FFE];
	[sflag:s23] =	ssyncadd.s32 $0xFFFFFFFF  }
0xa5: {  	s26 =	simm.s32 $execute0_lowered;
	[smem:$0x3FD2] =	sst s25  }
0xa6: {  	s5 =	sshll.u32 s26, $0x1;
	_ =	strace $0x8000004C;
	[dreg:$0x1] =	wrdreg $0xFFFFFFFF  }
0xa7: {  	s28 =	simm.s32 $_size_execute0_lowered;
	s3 =	sadd.s32 s3, s5;
	[dreg:$0x0] =	wrdreg $0x0  }
0xa8: {  	s5 =	sshll.u32 s28, $0x1;
	[dreg:$0x2] =	wrdreg s3  }
0xa9: {  	[dreg:$0x3] =	wrdreg s5  }
0xaa: {  	[dreg:$0x4] =	wrdreg $0xC0  }
0xab: {  	_ =	task [dreg:s7], $0x5FFFF  }
0xac: {  	[dreg:$0x1] =	wrdreg $0xFFFFFFFF  }
0xad: {  	[dreg:$0x0] =	wrdreg $0x60  }
0xae: {  	[dreg:$0x2] =	wrdreg s2  }
0xaf: {  	[dreg:$0x3] =	wrdreg s24  }
0xb0: {  	[dreg:$0x4] =	wrdreg $0x63000  }
0xb1: {  	[dreg:$0x5] =	wrdreg $0xC5C00  }
0xb2: {  	[dreg:$0x6] =	wrdreg $0x9  }
0xb3: {  	_ =	task.clear_ibuf [dreg:s7], $0x7FFFF;
	_ =	strace $0x9000004C  }
0xb4: {  	s29 =	simm.s32 $0x9;
	_ =	strace $0x8000004E  }
0xb5: {  	_ =	swait.ge [sflag:s29], $0x1  }
0xb6: {  	[sflag:s29] =	ssyncadd.s32 $0xFFFFFFFF  }
0xb7: {  	_ =	strace $0x9000004E  }
0xb8: {  	_ =	sfence  }
0xb9: {  	s30 =	sld [smem:$0x0];
	_ =	sdelay $0x2  }
0xba: {  	s31 =	sshll.u32 s1, $0xD;
	s1 =	sshrl.u32 s1, $0x2  }
0xbb: {  	s3 =	sand.u32 $0x4000, s31;
	s1 =	sadd.s32 s1, s30  }
0xbc: {  	s0 =	sor.u32 s3, s0;
	s1 =	sshll.u32 s1, $0x11  }
0xbd: {  	s0 =	sor.u32 s1, s0  }
0xbe: {  	s0 =	sadd.s32 $0x8F2B, s0  }
0xbf: {  	[sflag:s0] =	ssyncadd.remote.s32 $0x1  }
0xc0: {  	_ =	sfence.sel $0xFFFF  }
0xc1: {  	[dreg:$0x0] =	wrdreg $0xFFFFFFFF;
	(pc) =	sbr.abs _section_cstart, $3  }
0xc2: {  	[dreg:$0x1] =	wrdreg $0xFFFFFFFF  }
0xc3: {  	_ =	task.clear_ibuf [dreg:s7], $0x2FFFF;
	_ =	strace $0x9FFFFFFF  }
0xc4: {  	(tm) =	ssettm $0x7FFFFFFF  }
0xc5: {  	_ =	shalt  }
tec
execute0_lowered:
.L_overlay_start_1:
0x0: {  	(tag) =	ssettag $0x1  }
0x1: {  	s5 =	rddreg [dreg:$0x0]  }
0x2: {  	s6 =	rddreg [dreg:$0x1]  }
0x3: {  	s1 =	srdreg.scid;
	s2 =	rddreg [dreg:$0x2]  }
0x4: {  	s0 =	stileid.u32;
	s3 =	rddreg [dreg:$0x3];
	s4 =	simm.s32 $0x0  }
0x5: {  	s17 =	simm.s32 $0x2;
	s18 =	simm.s32 $0x2780;
	s8 =	smul.u32 $0x4F00, s0  }
0x6: {  	s19 =	simm.s32 $0x4F00;
	s20 =	simm.s32 $0x80;
	s12 =	smul.u32 $0x62C0, s0  }
0x7: {  	s21 =	simm.s32 $0x1;
	s7 =	sand.u32 $0x1, s1;
	s28 =	smul.u32 $0x18B00, s0  }
0x8: {  	s23 =	simm.s32 $0x0;
	s1 =	rddreg [dreg:$0x4];
	s9 =	smul.u32 $0x2780, s7  }
0x9: {  	[smem:$0x7FF] =	sst s4;
	s10 =	smul.u32 $0x62C00, s7;
	s7 =	ssub.s32 $0x2, s7  }
0xa: {  	s30 =	sshll.u32 s0, $0x6;
	_ =	strace $0x8000004D;
	s26 =	sshrl.u32 s7, $0x1  }
0xb: {  	s16 =	sadd.s32 s12, s2;
	s29 =	sshrl.u32 s12, $0x3;
	s31 =	sshrl.u32 s28, $0x2  }
0xc: {  	s22 =	sadd.s32 s12, s3;
	s8 =	sadd.s32 s9, s8;
	s25 =	sadd.s32 s12, s10  }
0xd: {  	s13 =	ssub.s32 s7, s26;
	s5 =	sadd.s32 s5, s29;
	s16 =	sshrl.u32 s16, $0x3  }
0xe: {  	s22 =	sshrl.u32 s22, $0x3;
	s8 =	sshrl.u32 s8, $0x3;
	s9 =	sshrl.u32 s25, $0x3  }
0xf: {  	s12 =	smax.u32 s13, $0x1;
	s8 =	sadd.s32 s8, s6;
	s11 =	sadd.s32 s9, s6  }
0x10: {  	s6 =	sor.u32 $0x1C02, s30;
	s9 =	sadd.s32 s31, s3;
	s7 =	sadd.s32 $0xC200, s8  }
0x11: {  	s8 =	sadd.s32 $0x2400, s8;
	s10 =	sadd.s32 $0x5000, s9;
	s11 =	sadd.s32 $0x16000, s11  }
0x12: {  	v0 =	vimm.f32 $0.0e+00;
	s13 =	sadd.s32 $0x1400, s9;
	s14 =	sadd.s32 $0x2800, s9;
	s15 =	sadd.s32 $0x3C00, s9  }
.LBB2_1:
0x13: {  	[spmem:s16], [sflag:s6] =	dma.local [hbm:s5], $0xC58  }
0x14: {  	_ =	swait.ge [sflag:s17], $0xC58  }
0x15: {  	[sflag:s17] =	ssyncset.done $0x0  }
0x16: {  	[sflag:s17] =	ssyncadd.s32 $0xFFFFF3A8  }
0x17: {  	[tilespmem:s4], [sflag:$0x2] =	stream.linear.gather [hbm4b:s7+s4], $0x2780, $0x38;
	[tilespmem:$0x12880] =	vst v63  }
0x18: {  	_ =	swait.ge [sflag:s17], $0x2780  }
0x19: {  	[sflag:s17] =	ssyncset.done $0x0  }
0x1a: {  	[sflag:s17] =	ssyncadd.s32 $0xFFFFD880  }
0x1b: {  	[tilespmem:s18], [sflag:$0x2] =	stream.linear.gather [hbm4b:s8+s4], $0x2780, $0x38;
	[tilespmem:$0x12880] =	vst v63  }
0x1c: {  	_ =	swait.ge [sflag:s17], $0x2780  }
0x1d: {  	[sflag:s17] =	ssyncset.done $0x0  }
0x1e: {  	s25 =	simm.s32 $0x0;
	[sflag:s17] =	ssyncadd.s32 $0xFFFFD880  }
0x1f: {  	s24 =	simm.s32 $0xA0;
	[tilespmem:s25+$0x4F10] =	vst v0  }
.LBB2_2:
0x20: {  	p0 =	sne.s32 s24, $0x4F60;
	[tilespmem:s25+$0x4F18] =	vst v0;
	s26 =	smov.u32 s24;
	s24 =	sadd.s32 $0xA0, s24  }
.Ltmp0:
0x21: {  	[tilespmem:s25+$0x4F00] =	vst v0;
	(pc) =	sbr.rel @p0 .LBB2_2-.Ltmp0, $3  }
0x22: {  	_ =	sdelay $0x1  }
0x23: {  	s25 =	sshra.s32 s26, $0x2  }
0x24: {  	[tilespmem:s25+$0x4F10] =	vst v0  }
0x25: {  	[tilespmem:s25+$0x4F18] =	vst v0  }
0x26: {  	[tilespmem:s25+$0x4F00] =	vst v0  }
0x27: {  	[spmem:s9] =	stream.linear.scatter [tilespmem:s19], [sflag:$0x2], $0x1400, $0x38;
	[tilespmem:$0x12880] =	vst v63  }
0x28: {  	_ =	swait.ge [sflag:s17], $0x1400  }
0x29: {  	[sflag:s17] =	ssyncset.done $0x0  }
0x2a: {  	[sflag:s17] =	ssyncadd.s32 $0xFFFFEC00  }
0x2b: {  	[spmem:s13] =	stream.linear.scatter [tilespmem:s19], [sflag:$0x2], $0x1400, $0x38;
	[tilespmem:$0x12880] =	vst v63  }
0x2c: {  	_ =	swait.ge [sflag:s17], $0x1400  }
0x2d: {  	[sflag:s17] =	ssyncset.done $0x0  }
0x2e: {  	[sflag:s17] =	ssyncadd.s32 $0xFFFFEC00  }
0x2f: {  	[spmem:s14] =	stream.linear.scatter [tilespmem:s19], [sflag:$0x2], $0x1400, $0x38;
	[tilespmem:$0x12880] =	vst v63  }
0x30: {  	_ =	swait.ge [sflag:s17], $0x1400  }
0x31: {  	[sflag:s17] =	ssyncset.done $0x0  }
0x32: {  	[sflag:s17] =	ssyncadd.s32 $0xFFFFEC00  }
0x33: {  	[spmem:s15] =	stream.linear.scatter [tilespmem:s19], [sflag:$0x2], $0x1400, $0x38;
	[tilespmem:$0x12880] =	vst v63  }
0x34: {  	_ =	swait.ge [sflag:s17], $0x1400  }
0x35: {  	[sflag:s17] =	ssyncset.done $0x0  }
0x36: {  	[sflag:s17] =	ssyncadd.s32 $0xFFFFEC00  }
0x37: {  	[spmem:s10] =	stream.linear.scatter [tilespmem:s19], [sflag:$0x2], $0x12C0, $0x38;
	[tilespmem:$0x12880] =	vst v63  }
0x38: {  	_ =	swait.ge [sflag:s17], $0x12C0  }
0x39: {  	[sflag:s17] =	ssyncset.done $0x0  }
0x3a: {  	[sflag:s17] =	ssyncadd.s32 $0xFFFFED40  }
0x3b: {  	s24 =	simm.s32 $0x0;
	[bflag:$0x0] =	sbarrier.arrive $0xFFFF  }
0x3c: {  	[tilespmem:s19], [sflag:$0x1] =	stream.indirect.gather [spmem:s2], $0x28, s24, s20, $0xb8;
	[tilespmem:$0x12880] =	vst v63  }
0x3d: {  	_ =	swait.ge [sflag:s21], $0x1400  }
0x3e: {  	[sflag:s21] =	ssyncset.done $0x0  }
0x3f: {  	s31 =	simm.s32 $0x2780;
	[sflag:s21] =	ssyncadd.s32 $0xFFFFEC00  }
0x40: {  	[spmem:s3] =	stream.indirect.scatter.add.f32 [tilespmem:s19], [sflag:$0x2], $0x28, s31, s20, $0xb8;
	[tilespmem:$0x12880] =	vst v63  }
0x41: {  	_ =	swait.ge [sflag:s17], $0x1400  }
0x42: {  	s25 =	simm.s32 $0x400;
	s24 =	simm.s32 $0x200;
	[sflag:s17] =	ssyncset.done $0x0  }
.LBB2_4:
0x43: {  	s26 =	sshra.s32 s24, $0x2  }
0x44: {  	[sflag:s17] =	ssyncadd.s32 $0xFFFFEC00;
	s24 =	smov.u32 s25;
	s28 =	sadd.s32 $0x200, s25  }
0x45: {  	[tilespmem:s19], [sflag:$0x1] =	stream.indirect.gather [spmem:s2], $0x28, s26, s20, $0xb8;
	[tilespmem:$0x12880] =	vst v63  }
0x46: {  	p0 =	sne.s32 s25, $0x9C00;
	_ =	swait.ge [sflag:s21], $0x1400  }
.Ltmp1:
0x47: {  	[sflag:s21] =	ssyncset.done $0x0;
	(pc) =	sbr.rel @p0 .LBB2_4-.Ltmp1, $4  }
0x48: {  	s25 =	sadd.s32 $0x2780, s26;
	[sflag:s21] =	ssyncadd.s32 $0xFFFFEC00  }
0x49: {  	[spmem:s3] =	stream.indirect.scatter.add.f32 [tilespmem:s19], [sflag:$0x2], $0x28, s25, s20, $0xb8;
	[tilespmem:$0x12880] =	vst v63  }
0x4a: {  	_ =	swait.ge [sflag:s17], $0x1400  }
0x4b: {  	s25 =	smov.u32 s28;
	[sflag:s17] =	ssyncset.done $0x0  }
0x4c: {  	s24 =	sshra.s32 s24, $0x2;
	[sflag:s17] =	ssyncadd.s32 $0xFFFFEC00  }
0x4d: {  	[tilespmem:s19], [sflag:$0x1] =	stream.indirect.gather [spmem:s2], $0x28, s24, s20, $0xb8;
	[tilespmem:$0x12880] =	vst v63  }
0x4e: {  	_ =	swait.ge [sflag:s21], $0x1400  }
0x4f: {  	[sflag:s21] =	ssyncset.done $0x0  }
0x50: {  	s24 =	sadd.s32 $0x2780, s24;
	[sflag:s21] =	ssyncadd.s32 $0xFFFFEC00  }
0x51: {  	[spmem:s3] =	stream.indirect.scatter.add.f32 [tilespmem:s19], [sflag:$0x2], $0x28, s24, s20, $0xb8;
	[tilespmem:$0x12880] =	vst v63  }
0x52: {  	_ =	swait.ge [sflag:s17], $0x1400  }
0x53: {  	s23 =	sadd.s32 $0x1, s23;
	[sflag:s17] =	ssyncset.done $0x0  }
0x54: {  	p0 =	sne.s32 s23, s12;
	[sflag:s17] =	ssyncadd.s32 $0xFFFFEC00  }
.Ltmp2:
0x55: {  	[bflag:$0x0] =	sbarrier.arrive $0xFFFF;
	(pc) =	sbr.rel @p0 .LBB2_1-.Ltmp2, $4  }
0x56: {  	[hbm:s11], [sflag:s6] =	dma.local [spmem:s22], $0xC58  }
0x57: {  	_ =	swait.ge [sflag:s17], $0xC58  }
0x58: {  	[sflag:s17] =	ssyncset.done $0x0  }
0x59: {  	[sflag:s17] =	ssyncadd.s32 $0xFFFFF3A8  }
0x5a: {  	_ =	sfence.sel $0x180000  }
0x5b: {  	[bflag:$0x0] =	sbarrier.arrive $0xFFFF  }
0x5c: {  	p0 =	sne.s32 s0, $0x0;
	_ =	strace $0x9000004D  }
0x5d: {  	s0 =	sadd.s32 @!p0 $0x100000, s1;
	[bflag:$0x2] =	sbarrier.arrive $0xFFFF  }
0x5e: {  	[sflag:s0] =	ssyncadd.tile.s32 @!p0 $0x1;
	_ =	shalt  }
.Lfunc_end2:
_tile_overlayer_lowered:
.L_overlay_start_2:
0x5f: {  	(tag) =	ssettag $0x2  }
0x60: {  	s0 =	rddreg [dreg:$0x0];
	s2 =	stileid.u32  }
0x61: {  	s1 =	rddreg [dreg:$0x1];
	p0 =	sne.s32 s2, $0x0  }
0x62: {  	s3 =	rddreg [dreg:$0x2];
	[bflag:$0x3] =	sbarrier.arrive $0xFFFF;
	s2 =	simm.s32 @!p0 $0x1C02  }
0x63: {  	[timem:s3], [sflag:s2] =	dma.local @!p0 [hbm:s0], s1  }
0x64: {  	s0 =	simm.s32 @!p0 $0x2  }
0x65: {  	_ =	swait.ge @!p0 [sflag:s0], s1  }
0x66: {  	s1 =	ssub.s32 @!p0 $0x0, s1;
	[sflag:s0] =	ssyncset.done @!p0 $0x0  }
0x67: {  	[sflag:s0] =	ssyncadd.s32 @!p0 s1  }
0x68: {  	[bflag:$0x3] =	sbarrier.arrive $0xFFFF  }
0x69: {  	_ =	shalt  }

// kernel: kernel.9.cloned.1.call-start
scs
__scs_entry_jumppad:
0x0: {  	(pc) =	sbr.rel $0x88, $3  }
0x1: {  	(tag) =	ssettag $0x0;
	lr =	simm.s32 $0x1  }
0x2: {  	[smem:$0x3F9B] =	sst lr;
	_ =	strace $0xD0000000  }
0x3: {  	_ = 	snop  }
0x4: {  	_ = 	snop  }
0x5: {  	_ = 	snop  }
0x6: {  	_ = 	snop  }
0x7: {  	_ = 	snop  }
__scs_overlays_trampoline_lowered:
0x8: {  	[smem:$0x3FAA] =	sst s0  }
0x9: {  	[smem:$0x3FAB] =	sst s1  }
0xa: {  	[smem:$0x3FAC] =	sst s2  }
0xb: {  	[smem:$0x3FAD] =	sst s3  }
0xc: {  	[smem:$0x3FAE] =	sst s4  }
0xd: {  	[smem:$0x3FAF] =	sst s5  }
0xe: {  	[smem:$0x3FB0] =	sst s6  }
0xf: {  	[smem:$0x3FB1] =	sst s7  }
0x10: {  	[smem:$0x3FB2] =	sst s8  }
0x11: {  	[smem:$0x3FB3] =	sst s9;
	s0 =	simm.s32 @!p0 $0x0  }
0x12: {  	s1 =	sld [smem:$0x3F99];
	s0 =	simm.s32 @p0 $0x1  }
0x13: {  	[smem:$0x3FB4] =	sst s0;
	s0 =	simm.s32 @!p1 $0x0  }
0x14: {  	s2 =	sld [smem:$0x3F98];
	s0 =	simm.s32 @p1 $0x1  }
0x15: {  	[smem:$0x3FB5] =	sst s0;
	s0 =	simm.s32 @!p2 $0x0  }
0x16: {  	s3 =	sld [smem:$0x3FDB];
	s0 =	simm.s32 @p2 $0x1  }
0x17: {  	s4 =	simm.s32 $0x1BF5;
	[smem:$0x3FB7] =	sst s0  }
0x18: {  	s0 =	sld [smem:$0x3F9A];
	_ =	swait.ge [sflag:s4], $0x0  }
0x19: {  	s7 =	sld [smem:$0x3F9B]  }
0x1a: {  	s8 =	sadd.s32 $0xFFFFE003, lr  }
0x1b: {  	s9 =	sadd.s32 $0xFFFFFEF7, lr;
	s5 =	simm.s32 $0xFFFFFFFF;
	p2 =	slt.u32 s8, $0xFFFFF086  }
0x1c: {  	p1 =	slt.u32 s9, $0xF7A;
	s5 =	simm.s32 @!p2 $0x0  }
0x1d: {  	s5 =	simm.s32 @p1 $0x1;
	p0 =	seq.s32 s7, s2  }
0x1e: {  	s7 =	smul.u32 @!p0 $0xF7A, s2;
	p2 =	seq.s32 @!p0 s5, $0x0  }
0x1f: {  	s9 =	smul.u32 $0xF7A, s1;
	s8 =	simm.s32 @!p0 $0x1BF5;
	p2 =	por !p2, p0  }
0x20: {  	[sflag:s8] =	ssyncset.s32 @!p0 $0xFFFFF086;
	s6 =	sadd.s32 @!p0 s3, s7;
	s7 =	simm.s32 @!p0 $0x108  }
0x21: {  	s3 =	sadd.s32 s3, s9;
	s6 =	sadd.s32 @!p0 $0x88, s6;
	s7 =	simm.s32 @p2 $0x1082  }
0x22: {  	[simem:s7], [sflag:s8] =	dma.local @!p0 [hbm:s6], $0xF7A  }
0x23: {  	s9 =	sor.u32 $0xD0000000, s2;
	s6 =	simm.s32 $0x108;
	_ =	swait.ge @!p0 [sflag:s8], $0x0  }
0x24: {  	s3 =	sadd.s32 $0x88, s3;
	s6 =	simm.s32 @!p1 $0x1082;
	[sflag:s4] =	ssyncset.s32 $0xFFFFF086  }
0x25: {  	[simem:s6], [sflag:s4] =	dma.local [hbm:s3], $0xF7A  }
0x26: {  	[smem:$0x3F9B] =	sst s1;
	(tag) =	ssettag s2;
	_ =	strace s9  }
0x27: {  	s1 =	sld [smem:$0x3FAB]  }
0x28: {  	s2 =	sld [smem:$0x3FAC]  }
0x29: {  	s4 =	sld [smem:$0x3FAE]  }
0x2a: {  	p0 =	seq.s32 s5, $0x0;
	s5 =	sld [smem:$0x3FAF]  }
0x2b: {  	s6 =	sld [smem:$0x3FB0]  }
0x2c: {  	s7 =	sld [smem:$0x3FB1]  }
0x2d: {  	s3 =	simm.s32 $0x108;
	s8 =	sld [smem:$0x3FB2]  }
0x2e: {  	s3 =	simm.s32 @!p0 $0x1082;
	s9 =	sld [smem:$0x3FB3]  }
0x2f: {  	lr =	sadd.s32 s0, s3;
	s0 =	sld [smem:$0x3FAA]  }
0x30: {  	s3 =	sld [smem:$0x3FAD]  }
0x31: {  	[smem:$0x3FB6] =	sst s10  }
0x32: {  	s10 =	sld [smem:$0x3FB4];
	_ =	sdelay $0x3  }
0x33: {  	p0 =	seq.s32 s10, $0x1;
	s10 =	sld [smem:$0x3FB6];
	_ =	sdelay $0x3  }
0x34: {  	[smem:$0x3FB6] =	sst s10  }
0x35: {  	s10 =	sld [smem:$0x3FB5];
	_ =	sdelay $0x3  }
0x36: {  	p1 =	seq.s32 s10, $0x1;
	s10 =	sld [smem:$0x3FB6];
	_ =	sdelay $0x3  }
0x37: {  	[smem:$0x3FB6] =	sst s10  }
0x38: {  	s10 =	sld [smem:$0x3FB7]  }
0x39: {  	_ = 	snop;
	(pc) =	sbr.ind lr, $3  }
0x3a: {  	_ = 	snop  }
0x3b: {  	_ = 	snop  }
0x3c: {  	p2 =	seq.s32 s10, $0x1;
	s10 =	sld [smem:$0x3FB6]  }
0x3d: {  	_ =	shalt  }
0x3e: {  	_ =	shalt  }
0x3f: {  	_ =	shalt  }
0x40: {  	_ =	shalt  }
0x41: {  	_ =	shalt  }
0x42: {  	_ =	shalt  }
0x43: {  	_ =	shalt  }
0x44: {  	_ =	shalt  }
0x45: {  	_ =	shalt  }
0x46: {  	_ =	shalt  }
0x47: {  	_ =	shalt  }
0x48: {  	_ =	shalt  }
0x49: {  	_ =	shalt  }
0x4a: {  	_ =	shalt  }
0x4b: {  	_ =	shalt  }
0x4c: {  	_ =	shalt  }
0x4d: {  	_ =	shalt  }
0x4e: {  	_ =	shalt  }
0x4f: {  	_ =	shalt  }
0x50: {  	_ =	shalt  }
0x51: {  	_ =	shalt  }
0x52: {  	_ =	shalt  }
0x53: {  	_ =	shalt  }
0x54: {  	_ =	shalt  }
0x55: {  	_ =	shalt  }
0x56: {  	_ =	shalt  }
0x57: {  	_ =	shalt  }
0x58: {  	_ =	shalt  }
0x59: {  	_ =	shalt  }
0x5a: {  	_ =	shalt  }
0x5b: {  	_ =	shalt  }
0x5c: {  	_ =	shalt  }
0x5d: {  	_ =	shalt  }
0x5e: {  	_ =	shalt  }
0x5f: {  	_ =	shalt  }
0x60: {  	_ =	shalt  }
0x61: {  	_ =	shalt  }
0x62: {  	_ =	shalt  }
0x63: {  	_ =	shalt  }
0x64: {  	_ =	shalt  }
0x65: {  	_ =	shalt  }
0x66: {  	_ =	shalt  }
0x67: {  	_ =	shalt  }
0x68: {  	_ =	shalt  }
0x69: {  	_ =	shalt  }
0x6a: {  	_ =	shalt  }
0x6b: {  	_ =	shalt  }
0x6c: {  	_ =	shalt  }
0x6d: {  	_ =	shalt  }
0x6e: {  	_ =	shalt  }
0x6f: {  	_ =	shalt  }
0x70: {  	_ =	shalt  }
0x71: {  	_ =	shalt  }
0x72: {  	_ =	shalt  }
0x73: {  	_ =	shalt  }
0x74: {  	_ =	shalt  }
0x75: {  	_ =	shalt  }
0x76: {  	_ =	shalt  }
0x77: {  	_ =	shalt  }
0x78: {  	_ =	shalt  }
0x79: {  	_ =	shalt  }
0x7a: {  	_ =	shalt  }
0x7b: {  	_ =	shalt  }
0x7c: {  	_ =	shalt  }
0x7d: {  	_ =	shalt  }
0x7e: {  	_ =	shalt  }
0x7f: {  	_ =	shalt  }
0x80: {  	_ =	shalt  }
0x81: {  	_ =	shalt  }
0x82: {  	_ =	shalt  }
0x83: {  	_ =	shalt  }
0x84: {  	_ =	shalt  }
0x85: {  	_ =	shalt  }
0x86: {  	_ =	shalt  }
0x87: {  	_ =	shalt  }
.Lfunc_end0:
.L_simem_size_0:
called_computation_lowered:
.L_overlay_start_0:
0x88: {  	s2 =	sld [smem:$0x3FD9]  }
0x89: {  	s3 =	sld [smem:$0x3FFE];
	_ =	sdelay $0x1  }
0x8a: {  	s1 =	srdreg.scid  }
0x8b: {  	s0 =	sand.u32 $0x1, s1  }
0x8c: {  	s17 =	sshll.u32 s0, $0xA;
	s2 =	sadd.s32 s3, s2  }
0x8d: {  	s2 =	sadd.s32 s2, s17  }
0x8e: {  	[smem:$0x3FC2] =	sst s2  }
0x8f: {  	_ = 	snop  }
0x90: {  	s2 =	sld [smem:$0x3FD0];
	(tm) =	ssettm $0x1  }
0x91: {  	s18 =	sld [smem:$0x3FFB];
	_ =	sdelay $0x3  }
0x92: {  	_ =	strace s18  }
0x93: {  	s3 =	sld [smem:$0x3FFC];
	_ =	sdelay $0x3  }
0x94: {  	_ =	strace s3  }
0x95: {  	s3 =	sld [smem:$0x3FFD];
	_ =	sdelay $0x3  }
0x96: {  	_ =	strace s3  }
0x97: {  	_ =	strace $0x8FFFFFFF  }
0x98: {  	s19 =	sld [smem:$0x3FDB];
	_ =	sdelay $0x1  }
0x99: {  	s4 =	simm.s32 $_scs_section_size  }
0x9a: {  	s5 =	simm.s32 $_size__tile_overlayer_lowered;
	s6 =	simm.s32 $_tile_overlayer_lowered  }
0x9b: {  	s22 =	simm.s32 $0x1BFF;
	s21 =	sshll.u32 s6, $0x1;
	s3 =	sadd.s32 s4, s19  }
0x9c: {  	s7 =	simm.s32 $0x0;
	s20 =	sshll.u32 s5, $0x1;
	s5 =	sadd.s32 s21, s3  }
0x9d: {  	[timem:s7], [sflag:s22] =	dma.local [hbm:s5], s20  }
0x9e: {  	_ =	swait.ge [sflag:s22], s20  }
0x9f: {  	s4 =	ssub.s32 $0x0, s20;
	[sflag:s22] =	ssyncset.done $0x0  }
0xa0: {  	[sflag:s22] =	ssyncadd.s32 s4;
	_ =	sdelay $0x1  }
0xa1: {  	s23 =	simm.s32 $0x1B8B  }
0xa2: {  	_ =	swait.ge [sflag:s23], $0x1  }
0xa3: {  	[sflag:s23] =	ssyncset.done $0x0  }
0xa4: {  	s25 =	simm.s32 $0x1B8E;
	s24 =	sld [smem:$0x3FFE];
	[sflag:s23] =	ssyncadd.s32 $0xFFFFFFFF  }
0xa5: {  	s26 =	simm.s32 $execute0_lowered;
	[smem:$0x3FD2] =	sst s25  }
0xa6: {  	s5 =	sshll.u32 s26, $0x1;
	_ =	strace $0x80000046;
	[dreg:$0x1] =	wrdreg $0xFFFFFFFF  }
0xa7: {  	s28 =	simm.s32 $_size_execute0_lowered;
	s3 =	sadd.s32 s3, s5;
	[dreg:$0x0] =	wrdreg $0x0  }
0xa8: {  	s5 =	sshll.u32 s28, $0x1;
	[dreg:$0x2] =	wrdreg s3  }
0xa9: {  	[dreg:$0x3] =	wrdreg s5  }
0xaa: {  	[dreg:$0x4] =	wrdreg $0xC0  }
0xab: {  	_ =	task [dreg:s7], $0x5FFFF  }
0xac: {  	[dreg:$0x1] =	wrdreg $0xFFFFFFFF  }
0xad: {  	[dreg:$0x0] =	wrdreg $0x60  }
0xae: {  	[dreg:$0x2] =	wrdreg s24  }
0xaf: {  	[dreg:$0x3] =	wrdreg s2  }
0xb0: {  	[dreg:$0x4] =	wrdreg $0x9  }
0xb1: {  	_ =	task.clear_ibuf [dreg:s7], $0x5FFFF;
	_ =	strace $0x90000046  }
0xb2: {  	s29 =	simm.s32 $0x9;
	_ =	strace $0x80000048  }
0xb3: {  	_ =	swait.ge [sflag:s29], $0x1  }
0xb4: {  	[sflag:s29] =	ssyncadd.s32 $0xFFFFFFFF  }
0xb5: {  	_ =	strace $0x90000048  }
0xb6: {  	_ =	sfence  }
0xb7: {  	s30 =	sld [smem:$0x0];
	_ =	sdelay $0x2  }
0xb8: {  	s31 =	sshll.u32 s1, $0xD;
	s1 =	sshrl.u32 s1, $0x2  }
0xb9: {  	s3 =	sand.u32 $0x4000, s31;
	s1 =	sadd.s32 s1, s30  }
0xba: {  	s0 =	sor.u32 s3, s0;
	s1 =	sshll.u32 s1, $0x11  }
0xbb: {  	s0 =	sor.u32 s1, s0  }
0xbc: {  	s0 =	sadd.s32 $0x8F2B, s0  }
0xbd: {  	[sflag:s0] =	ssyncadd.remote.s32 $0x1  }
0xbe: {  	_ =	sfence.sel $0xFFFF  }
0xbf: {  	[dreg:$0x0] =	wrdreg $0xFFFFFFFF;
	(pc) =	sbr.abs _section_cstart, $3  }
0xc0: {  	[dreg:$0x1] =	wrdreg $0xFFFFFFFF  }
0xc1: {  	_ =	task.clear_ibuf [dreg:s7], $0x2FFFF;
	_ =	strace $0x9FFFFFFF  }
0xc2: {  	(tm) =	ssettm $0x7FFFFFFF  }
0xc3: {  	_ =	shalt  }
tec
execute0_lowered:
.L_overlay_start_1:
0x0: {  	(tag) =	ssettag $0x1  }
0x1: {  	s1 =	srdreg.scid;
	s3 =	rddreg [dreg:$0x0]  }
0x2: {  	s0 =	stileid.u32;
	s6 =	rddreg [dreg:$0x1]  }
0x3: {  	s2 =	simm.s32 $0x0;
	s4 =	sand.u32 $0x1, s1;
	s5 =	smul.u32 $0x4F00, s0  }
0x4: {  	s10 =	simm.s32 $0x4F00;
	s11 =	simm.s32 $0x7680;
	s7 =	smul.u32 $0x2780, s4  }
0x5: {  	s12 =	simm.s32 $0x0;
	s1 =	rddreg [dreg:$0x2];
	s8 =	sshll.u32 s4, $0x4  }
0x6: {  	[smem:$0x7FF] =	sst s2;
	s30 =	sor.u32 s0, s8;
	s5 =	sadd.s32 s7, s5  }
0x7: {  	s4 =	ssub.s32 $0x2, s4;
	s7 =	smul.u32 $0x4F0, s30;
	s5 =	sshrl.u32 s5, $0x3  }
0x8: {  	_ =	strace $0x80000047;
	s31 =	sshrl.u32 s4, $0x1;
	s5 =	sadd.s32 s5, s3  }
0x9: {  	s8 =	ssub.s32 s4, s31;
	s9 =	sadd.s32 s7, s3;
	s3 =	sadd.s32 $0xC200, s5  }
0xa: {  	s4 =	sadd.s32 $0x2400, s5;
	s5 =	sadd.s32 s6, s7;
	s6 =	sadd.s32 $0x16000, s9  }
0xb: {  	v0 =	vimm.f32 $0.0e+00;
	v1 =	vimm.f32 $1.000000000e+00;
	s7 =	smax.u32 s8, $0x1;
	s8 =	simm.s32 $0x1;
	s9 =	simm.s32 $0x2780  }
.LBB2_1:
0xc: {  	[tilespmem:s2], [sflag:$0x1] =	stream.linear.gather [hbm4b:s3+s2], $0x2780, $0x38;
	[tilespmem:$0x9E00] =	vst v63  }
0xd: {  	_ =	swait.ge [sflag:s8], $0x2780  }
0xe: {  	[sflag:s8] =	ssyncset.done $0x0  }
0xf: {  	[sflag:s8] =	ssyncadd.s32 $0xFFFFD880  }
0x10: {  	[tilespmem:s9], [sflag:$0x1] =	stream.linear.gather [hbm4b:s4+s2], $0x2780, $0x38;
	[tilespmem:$0x9E00] =	vst v63  }
0x11: {  	_ =	swait.ge [sflag:s8], $0x2780  }
0x12: {  	[sflag:s8] =	ssyncset.done $0x0  }
0x13: {  	s13 =	simm.s32 $0x0;
	[sflag:s8] =	ssyncadd.s32 $0xFFFFD880  }
.LBB2_2:
0x14: {  	p0 =	sne.s32 s13, $0x9DC0  }
.Ltmp0:
0x15: {  	_ = 	snop;
	(pc) =	sbr.rel @p0 .LBB2_2-.Ltmp0, $4  }
0x16: {  	_ = 	snop  }
0x17: {  	s14 =	sshra.s32 s13, $0x2  }
0x18: {  	[tilespmem:s14+$0x4F00] =	vst v0  }
0x19: {  	s13 =	sadd.s32 $0x40, s13;
	[tilespmem:s14+$0x7680] =	vst v0  }
0x1a: {  	s13 =	simm.s32 $0x0  }
.LBB2_4:
0x1b: {  	s14 =	sshra.s32 s13, $0x2  }
0x1c: {  	v2 =	vld [tilespmem:s14+$0x0];
	_ =	sdelay $0x7  }
0x1d: {  	[tilespmem:v2+s10+$0x0] =	vst.idx.add.f32.msk $0xffff, v1  }
0x1e: {  	v2 =	vld [tilespmem:s14+$0x2780];
	_ =	sdelay $0x7  }
0x1f: {  	[tilespmem:v2+s11+$0x0] =	vst.idx.add.f32.msk $0xffff, v1  }
0x20: {  	v2 =	vld [tilespmem:s14+$0x10];
	_ =	sdelay $0x7  }
0x21: {  	[tilespmem:v2+s10+$0x0] =	vst.idx.add.f32.msk $0xffff, v1  }
0x22: {  	v2 =	vld [tilespmem:s14+$0x2790];
	_ =	sdelay $0x7  }
0x23: {  	[tilespmem:v2+s11+$0x0] =	vst.idx.add.f32.msk $0xffff, v1  }
0x24: {  	v2 =	vld [tilespmem:s14+$0x20];
	_ =	sdelay $0x7  }
0x25: {  	[tilespmem:v2+s10+$0x0] =	vst.idx.add.f32.msk $0xffff, v1  }
0x26: {  	v2 =	vld [tilespmem:s14+$0x27A0];
	_ =	sdelay $0x7  }
0x27: {  	[tilespmem:v2+s11+$0x0] =	vst.idx.add.f32.msk $0xffff, v1  }
0x28: {  	v2 =	vld [tilespmem:s14+$0x30];
	_ =	sdelay $0x7  }
0x29: {  	[tilespmem:v2+s10+$0x0] =	vst.idx.add.f32.msk $0xffff, v1  }
0x2a: {  	v2 =	vld [tilespmem:s14+$0x27B0];
	_ =	sdelay $0x7  }
0x2b: {  	[tilespmem:v2+s11+$0x0] =	vst.idx.add.f32.msk $0xffff, v1  }
0x2c: {  	v2 =	vld [tilespmem:s14+$0x40];
	_ =	sdelay $0x7  }
0x2d: {  	[tilespmem:v2+s10+$0x0] =	vst.idx.add.f32.msk $0xffff, v1  }
0x2e: {  	v2 =	vld [tilespmem:s14+$0x27C0];
	_ =	sdelay $0x7  }
0x2f: {  	[tilespmem:v2+s11+$0x0] =	vst.idx.add.f32.msk $0xffff, v1  }
0x30: {  	v2 =	vld [tilespmem:s14+$0x50];
	_ =	sdelay $0x7  }
0x31: {  	[tilespmem:v2+s10+$0x0] =	vst.idx.add.f32.msk $0xffff, v1  }
0x32: {  	v2 =	vld [tilespmem:s14+$0x27D0];
	_ =	sdelay $0x7  }
0x33: {  	[tilespmem:v2+s11+$0x0] =	vst.idx.add.f32.msk $0xffff, v1  }
0x34: {  	v2 =	vld [tilespmem:s14+$0x60];
	_ =	sdelay $0x7  }
0x35: {  	[tilespmem:v2+s10+$0x0] =	vst.idx.add.f32.msk $0xffff, v1  }
0x36: {  	v2 =	vld [tilespmem:s14+$0x27E0];
	_ =	sdelay $0x7  }
0x37: {  	[tilespmem:v2+s11+$0x0] =	vst.idx.add.f32.msk $0xffff, v1  }
0x38: {  	v2 =	vld [tilespmem:s14+$0x70];
	_ =	sdelay $0x7  }
0x39: {  	[tilespmem:v2+s10+$0x0] =	vst.idx.add.f32.msk $0xffff, v1  }
0x3a: {  	v2 =	vld [tilespmem:s14+$0x27F0];
	_ =	sdelay $0x2  }
0x3b: {  	p0 =	sne.s32 s13, $0x9C00  }
.Ltmp1:
0x3c: {  	_ = 	snop;
	(pc) =	sbr.rel @p0 .LBB2_4-.Ltmp1, $2  }
0x3d: {  	_ =	sdelay $0x2  }
0x3e: {  	s13 =	sadd.s32 $0x200, s13;
	[tilespmem:v2+s11+$0x0] =	vst.idx.add.f32.msk $0xffff, v1  }
0x3f: {  	[hbm4b:s5+s2] =	stream.linear.scatter [tilespmem:s10], [sflag:$0x1], $0x2780, $0x38;
	[tilespmem:$0x9E00] =	vst v63  }
0x40: {  	s12 =	sadd.s32 $0x1, s12;
	_ =	swait.ge [sflag:s8], $0x2780  }
0x41: {  	p0 =	sne.s32 s12, s7;
	[sflag:s8] =	ssyncset.done $0x0  }
.Ltmp2:
0x42: {  	[sflag:s8] =	ssyncadd.s32 $0xFFFFD880;
	(pc) =	sbr.rel @p0 .LBB2_1-.Ltmp2, $4  }
0x43: {  	[hbm4b:s6+s2] =	stream.linear.scatter [tilespmem:s11], [sflag:$0x1], $0x2780, $0x38;
	[tilespmem:$0x9E00] =	vst v63  }
0x44: {  	_ =	swait.ge [sflag:s8], $0x2780  }
0x45: {  	[sflag:s8] =	ssyncset.done $0x0  }
0x46: {  	[sflag:s8] =	ssyncadd.s32 $0xFFFFD880  }
0x47: {  	_ =	sfence.sel $0x180000  }
0x48: {  	[bflag:$0x0] =	sbarrier.arrive $0xFFFF  }
0x49: {  	p0 =	sne.s32 s0, $0x0;
	_ =	strace $0x90000047  }
0x4a: {  	s0 =	sadd.s32 @!p0 $0x100000, s1;
	[bflag:$0x2] =	sbarrier.arrive $0xFFFF  }
0x4b: {  	[sflag:s0] =	ssyncadd.tile.s32 @!p0 $0x1;
	_ =	shalt  }
.Lfunc_end2:
_tile_overlayer_lowered:
.L_overlay_start_2:
0x4c: {  	(tag) =	ssettag $0x2  }
0x4d: {  	s0 =	rddreg [dreg:$0x0];
	s2 =	stileid.u32  }
0x4e: {  	s1 =	rddreg [dreg:$0x1];
	p0 =	sne.s32 s2, $0x0  }
0x4f: {  	s3 =	rddreg [dreg:$0x2];
	[bflag:$0x3] =	sbarrier.arrive $0xFFFF;
	s2 =	simm.s32 @!p0 $0x1C01  }
0x50: {  	[timem:s3], [sflag:s2] =	dma.local @!p0 [hbm:s0], s1  }
0x51: {  	s0 =	simm.s32 @!p0 $0x1  }
0x52: {  	_ =	swait.ge @!p0 [sflag:s0], s1  }
0x53: {  	s1 =	ssub.s32 @!p0 $0x0, s1;
	[sflag:s0] =	ssyncset.done @!p0 $0x0  }
0x54: {  	[sflag:s0] =	ssyncadd.s32 @!p0 s1  }
0x55: {  	[bflag:$0x3] =	sbarrier.arrive $0xFFFF  }
0x56: {  	_ =	shalt  }

</sc_bundles>
